<compile_context>
chip_gen: v7x
topology: tpu7x:2x2x1
jax: 0.10.2.dev20260603
libtpu: 0.0.44.dev20260713+nightly
codegen_flags: <defaults>
</compile_context>

<pallas_src>
import functools

import jax
import jax.numpy as jnp
from jax import lax
from jax.experimental import pallas as pl
from jax.experimental.pallas import tpu as pltpu
from jax.experimental.pallas import tpu_sc as plsc

_B = 16384
_D = 20
_NC = 2
_NS = 16
_NW = _NC * _NS
_BPW = _B // _NW
_L = 16
_NG = _BPW // _L


@functools.partial(
    pl.kernel,
    mesh=plsc.VectorSubcoreMesh(core_axis_name="c", subcore_axis_name="s"),
    out_type=jax.ShapeDtypeStruct((_D, _B), jnp.float32),
    scratch_types=[
        pltpu.VMEM((_BPW,), jnp.int32),
        pltpu.VMEM((128,), jnp.int32),
        pltpu.VMEM((192,), jnp.float32),
        pltpu.VMEM((_D, _BPW), jnp.float32),
        pltpu.SemaphoreType.DMA,
    ],
    compiler_params=pltpu.CompilerParams(
        use_tc_tiling_on_sc=False,
        needs_layout_passes=False,
    ),
)
def _distance_sc(lengths_hbm, table_hbm, out_hbm, len_v, idx_v, tab_v, out_v, sem):
    wid = lax.axis_index("s") * _NC + lax.axis_index("c")
    base = wid * _BPW
    cp_len = pltpu.async_copy(lengths_hbm.at[pl.ds(base, _BPW)], len_v, sem)
    cp_tab = pltpu.async_copy(table_hbm, tab_v.at[pl.ds(0, _D * 9)], sem)
    zero = jnp.full((_L,), 0, jnp.int32)
    one = jnp.full((_L,), 1, jnp.int32)
    four = jnp.full((_L,), 4, jnp.int32)
    twenty = jnp.full((_L,), _D, jnp.int32)
    cap = jnp.full((_L,), 127, jnp.int32)
    lane = lax.iota(jnp.int32, _L)
    for i in range(8):
        lv = lane + jnp.full((_L,), i * _L, jnp.int32)
        acc = jnp.minimum(jnp.maximum(lv, zero), four)
        for k in (3, 4, 5, 6):
            kv = jnp.full((_L,), k, jnp.int32)
            sh = lax.shift_right_arithmetic(lv, kv)
            acc = acc + jnp.minimum(jnp.maximum(sh, zero), one)
        idx_v[pl.ds(i * _L, _L)] = acc * twenty

    dsplat = [jnp.full((_L,), d, jnp.int32) for d in range(_D)]
    cp_len.wait()
    cp_tab.wait()

    def gather_group(g):
        lv = len_v[pl.ds(g * _L, _L)]
        rowb = plsc.load_gather(
            idx_v, [jnp.minimum(jnp.maximum(lv, zero), cap)]
        )
        for d in range(_D):
            val = plsc.load_gather(tab_v, [rowb + dsplat[d]])
            out_v[d, pl.ds(g * _L, _L)] = val

    plsc.parallel_loop(0, _NG, unroll=2)(gather_group)
    cp_out = pltpu.async_copy(out_v, out_hbm.at[:, pl.ds(base, _BPW)], sem)
    cp_out.wait()


def kernel(lengths, table):
    out_t = _distance_sc(lengths, table.reshape(-1))
    return out_t.T

# --- scband reference (transcript-rebuilt; emitter-appended) ---
"""Pipeline reference for scband-distance-46566035423391 (READ-ONLY COPY).

The authoritative reference and input builder live on the scoring server;
editing this copy changes nothing except your own understanding.
"""

import jax, jax.numpy as jnp
import numpy as np

BINS = [1, 2, 3, 4, 8, 16, 32, 64]


def stoi(lengths):
    # Count how many bin boundaries each length is >= to, matching
    # sum([True for i in bins if num >= i]) in the torch module.
    bins = jnp.asarray(BINS, dtype=lengths.dtype)
    return jnp.sum(lengths[:, None] >= bins[None, :], axis=1)


def setup_inputs(seed: int = 0) -> dict:
    key = jax.random.key(seed)
    k_idx, k_tab = jax.random.split(key)
    lengths = jax.random.randint(k_idx, (16384,), 0, 128, dtype=jnp.int32)
    # nn.Embedding(len(bins)+1=9, distance_dim=20) weight, N(0,1) init like torch
    table = jax.random.normal(k_tab, (len(BINS) + 1, 20), dtype=jnp.float32)
    return {"lengths": lengths, "table": table}


def reference(lengths, table):
    # stoi -> embedding lookup; Dropout(0.2) is identity in eval mode
    idx = stoi(lengths)
    return jnp.take(table, idx, axis=0)

if __name__ == "__main__":
    import jax
    _d = setup_inputs()
    print(jax.jit(kernel)(*tuple(_d.values())))

</pallas_src>

<mosaic_0001>
#map = affine_map<(d0, d1) -> (0)>
#map1 = affine_map<(d0, d1) -> (0, 0)>
module attributes {stable_mosaic.version = 14 : i64} {
  func.func @_distance_sc(%arg0: i32, %arg1: i32, %arg2: memref<16384xi32, #tpu.memory_space<hbm>>, %arg3: memref<180xf32, #tpu.memory_space<hbm>>, %arg4: memref<20x16384xf32, #tpu.memory_space<hbm>>, %arg5: memref<512xi32, #tpu.memory_space<vmem>>, %arg6: memref<128xi32, #tpu.memory_space<vmem>>, %arg7: memref<192xf32, #tpu.memory_space<vmem>>, %arg8: memref<20x512xf32, #tpu.memory_space<vmem>>, %arg9: memref<!tpu.dma_semaphore, #tpu.memory_space<semaphore_mem>>) attributes {dimension_semantics = [#tpu.dimension_semantics<core_parallel>, #tpu.dimension_semantics<subcore_parallel>], iteration_bounds = array<i64: 2, 16>, scalar_prefetch = 0 : i64, scratch_operands = 5 : i64, tpu.core_type = #tpu.core_type<sc_vector_subcore>, window_params = [{transform_indices = #map}, {transform_indices = #map}, {transform_indices = #map1}]} {
    %mul3A = arith.constant 2 : i32
    %mul3A_0 = arith.muli %arg1, %mul3A : i32
    %add3A = arith.addi %mul3A_0, %arg0 : i32
    %mul3A_1 = arith.constant 512 : i32
    %mul3A_2 = arith.muli %add3A, %mul3A_1 : i32
    %dma_start3A = tpu.memref_slice %arg2[%mul3A_2] : memref<16384xi32, #tpu.memory_space<hbm>> -> memref<512xi32, #tpu.memory_space<hbm>>
    %dma_start3A_3 = tpu.memref_slice %arg2[%mul3A_2] : memref<16384xi32, #tpu.memory_space<hbm>> -> memref<512xi32, #tpu.memory_space<hbm>>
    tpu.enqueue_dma source(%dma_start3A_3 : memref<512xi32, #tpu.memory_space<hbm>>) target(%arg5 : memref<512xi32, #tpu.memory_space<vmem>>) target_semaphore(%arg9 : memref<!tpu.dma_semaphore, #tpu.memory_space<semaphore_mem>>)
    %dma_start3A_4 = arith.constant 0 : i32
    %dma_start3A_5 = tpu.memref_slice %arg7[%dma_start3A_4] : memref<192xf32, #tpu.memory_space<vmem>> -> memref<180xf32, #tpu.memory_space<vmem>>
    %dma_start3A_6 = arith.constant 0 : i32
    %dma_start3A_7 = tpu.memref_slice %arg7[%dma_start3A_6] : memref<192xf32, #tpu.memory_space<vmem>> -> memref<180xf32, #tpu.memory_space<vmem>>
    tpu.enqueue_dma source(%arg3 : memref<180xf32, #tpu.memory_space<hbm>>) target(%dma_start3A_7 : memref<180xf32, #tpu.memory_space<vmem>>) target_semaphore(%arg9 : memref<!tpu.dma_semaphore, #tpu.memory_space<semaphore_mem>>)
    %broadcast_in_dim3A = arith.constant 0 : i32
    %broadcast_in_dim3A_8 = vector.broadcast %broadcast_in_dim3A : i32 to vector<16xi32>
    %broadcast_in_dim3A_9 = arith.constant 1 : i32
    %broadcast_in_dim3A_10 = vector.broadcast %broadcast_in_dim3A_9 : i32 to vector<16xi32>
    %broadcast_in_dim3A_11 = arith.constant 4 : i32
    %broadcast_in_dim3A_12 = vector.broadcast %broadcast_in_dim3A_11 : i32 to vector<16xi32>
    %broadcast_in_dim3A_13 = arith.constant 20 : i32
    %broadcast_in_dim3A_14 = vector.broadcast %broadcast_in_dim3A_13 : i32 to vector<16xi32>
    %broadcast_in_dim3A_15 = arith.constant 127 : i32
    %broadcast_in_dim3A_16 = vector.broadcast %broadcast_in_dim3A_15 : i32 to vector<16xi32>
    %iota3A = tpu.iota {dimensions = array<i32: 0>} : vector<16xi32>
    %broadcast_in_dim3A_17 = arith.constant 0 : i32
    %broadcast_in_dim3A_18 = vector.broadcast %broadcast_in_dim3A_17 : i32 to vector<16xi32>
    %add3A_19 = arith.addi %iota3A, %broadcast_in_dim3A_18 : vector<16xi32>
    %max3A = arith.maxsi %add3A_19, %broadcast_in_dim3A_8 : vector<16xi32>
    %min3A = arith.minsi %max3A, %broadcast_in_dim3A_12 : vector<16xi32>
    %broadcast_in_dim3A_20 = arith.constant 3 : i32
    %broadcast_in_dim3A_21 = vector.broadcast %broadcast_in_dim3A_20 : i32 to vector<16xi32>
    %shift_right_arithmetic3A = arith.shrsi %add3A_19, %broadcast_in_dim3A_21 : vector<16xi32>
    %max3A_22 = arith.maxsi %shift_right_arithmetic3A, %broadcast_in_dim3A_8 : vector<16xi32>
    %min3A_23 = arith.minsi %max3A_22, %broadcast_in_dim3A_10 : vector<16xi32>
    %add3A_24 = arith.addi %min3A, %min3A_23 : vector<16xi32>
    %broadcast_in_dim3A_25 = arith.constant 4 : i32
    %broadcast_in_dim3A_26 = vector.broadcast %broadcast_in_dim3A_25 : i32 to vector<16xi32>
    %shift_right_arithmetic3A_27 = arith.shrsi %add3A_19, %broadcast_in_dim3A_26 : vector<16xi32>
    %max3A_28 = arith.maxsi %shift_right_arithmetic3A_27, %broadcast_in_dim3A_8 : vector<16xi32>
    %min3A_29 = arith.minsi %max3A_28, %broadcast_in_dim3A_10 : vector<16xi32>
    %add3A_30 = arith.addi %add3A_24, %min3A_29 : vector<16xi32>
    %broadcast_in_dim3A_31 = arith.constant 5 : i32
    %broadcast_in_dim3A_32 = vector.broadcast %broadcast_in_dim3A_31 : i32 to vector<16xi32>
    %shift_right_arithmetic3A_33 = arith.shrsi %add3A_19, %broadcast_in_dim3A_32 : vector<16xi32>
    %max3A_34 = arith.maxsi %shift_right_arithmetic3A_33, %broadcast_in_dim3A_8 : vector<16xi32>
    %min3A_35 = arith.minsi %max3A_34, %broadcast_in_dim3A_10 : vector<16xi32>
    %add3A_36 = arith.addi %add3A_30, %min3A_35 : vector<16xi32>
    %broadcast_in_dim3A_37 = arith.constant 6 : i32
    %broadcast_in_dim3A_38 = vector.broadcast %broadcast_in_dim3A_37 : i32 to vector<16xi32>
    %shift_right_arithmetic3A_39 = arith.shrsi %add3A_19, %broadcast_in_dim3A_38 : vector<16xi32>
    %max3A_40 = arith.maxsi %shift_right_arithmetic3A_39, %broadcast_in_dim3A_8 : vector<16xi32>
    %min3A_41 = arith.minsi %max3A_40, %broadcast_in_dim3A_10 : vector<16xi32>
    %add3A_42 = arith.addi %add3A_36, %min3A_41 : vector<16xi32>
    %mul3A_43 = arith.muli %add3A_42, %broadcast_in_dim3A_14 : vector<16xi32>
    %swap3A = arith.constant 0 : index
    %swap3A_44 = tpu.vector_load %arg6[%swap3A] {strides = array<i32>} : memref<128xi32, #tpu.memory_space<vmem>>, vector<16xi32>,
    tpu.vector_store %arg6[%swap3A], %mul3A_43 {strides = array<i32>} : memref<128xi32, #tpu.memory_space<vmem>>, vector<16xi32>,
    %broadcast_in_dim3A_45 = arith.constant 16 : i32
    %broadcast_in_dim3A_46 = vector.broadcast %broadcast_in_dim3A_45 : i32 to vector<16xi32>
    %add3A_47 = arith.addi %iota3A, %broadcast_in_dim3A_46 : vector<16xi32>
    %max3A_48 = arith.maxsi %add3A_47, %broadcast_in_dim3A_8 : vector<16xi32>
    %min3A_49 = arith.minsi %max3A_48, %broadcast_in_dim3A_12 : vector<16xi32>
    %broadcast_in_dim3A_50 = arith.constant 3 : i32
    %broadcast_in_dim3A_51 = vector.broadcast %broadcast_in_dim3A_50 : i32 to vector<16xi32>
    %shift_right_arithmetic3A_52 = arith.shrsi %add3A_47, %broadcast_in_dim3A_51 : vector<16xi32>
    %max3A_53 = arith.maxsi %shift_right_arithmetic3A_52, %broadcast_in_dim3A_8 : vector<16xi32>
    %min3A_54 = arith.minsi %max3A_53, %broadcast_in_dim3A_10 : vector<16xi32>
    %add3A_55 = arith.addi %min3A_49, %min3A_54 : vector<16xi32>
    %broadcast_in_dim3A_56 = arith.constant 4 : i32
    %broadcast_in_dim3A_57 = vector.broadcast %broadcast_in_dim3A_56 : i32 to vector<16xi32>
    %shift_right_arithmetic3A_58 = arith.shrsi %add3A_47, %broadcast_in_dim3A_57 : vector<16xi32>
    %max3A_59 = arith.maxsi %shift_right_arithmetic3A_58, %broadcast_in_dim3A_8 : vector<16xi32>
    %min3A_60 = arith.minsi %max3A_59, %broadcast_in_dim3A_10 : vector<16xi32>
    %add3A_61 = arith.addi %add3A_55, %min3A_60 : vector<16xi32>
    %broadcast_in_dim3A_62 = arith.constant 5 : i32
    %broadcast_in_dim3A_63 = vector.broadcast %broadcast_in_dim3A_62 : i32 to vector<16xi32>
    %shift_right_arithmetic3A_64 = arith.shrsi %add3A_47, %broadcast_in_dim3A_63 : vector<16xi32>
    %max3A_65 = arith.maxsi %shift_right_arithmetic3A_64, %broadcast_in_dim3A_8 : vector<16xi32>
    %min3A_66 = arith.minsi %max3A_65, %broadcast_in_dim3A_10 : vector<16xi32>
    %add3A_67 = arith.addi %add3A_61, %min3A_66 : vector<16xi32>
    %broadcast_in_dim3A_68 = arith.constant 6 : i32
    %broadcast_in_dim3A_69 = vector.broadcast %broadcast_in_dim3A_68 : i32 to vector<16xi32>
    %shift_right_arithmetic3A_70 = arith.shrsi %add3A_47, %broadcast_in_dim3A_69 : vector<16xi32>
    %max3A_71 = arith.maxsi %shift_right_arithmetic3A_70, %broadcast_in_dim3A_8 : vector<16xi32>
    %min3A_72 = arith.minsi %max3A_71, %broadcast_in_dim3A_10 : vector<16xi32>
    %add3A_73 = arith.addi %add3A_67, %min3A_72 : vector<16xi32>
    %mul3A_74 = arith.muli %add3A_73, %broadcast_in_dim3A_14 : vector<16xi32>
    %swap3A_75 = arith.constant 16 : index
    %swap3A_76 = tpu.vector_load %arg6[%swap3A_75] {strides = array<i32>} : memref<128xi32, #tpu.memory_space<vmem>>, vector<16xi32>,
    tpu.vector_store %arg6[%swap3A_75], %mul3A_74 {strides = array<i32>} : memref<128xi32, #tpu.memory_space<vmem>>, vector<16xi32>,
    %broadcast_in_dim3A_77 = arith.constant 32 : i32
    %broadcast_in_dim3A_78 = vector.broadcast %broadcast_in_dim3A_77 : i32 to vector<16xi32>
    %add3A_79 = arith.addi %iota3A, %broadcast_in_dim3A_78 : vector<16xi32>
    %max3A_80 = arith.maxsi %add3A_79, %broadcast_in_dim3A_8 : vector<16xi32>
    %min3A_81 = arith.minsi %max3A_80, %broadcast_in_dim3A_12 : vector<16xi32>
    %broadcast_in_dim3A_82 = arith.constant 3 : i32
    %broadcast_in_dim3A_83 = vector.broadcast %broadcast_in_dim3A_82 : i32 to vector<16xi32>
    %shift_right_arithmetic3A_84 = arith.shrsi %add3A_79, %broadcast_in_dim3A_83 : vector<16xi32>
    %max3A_85 = arith.maxsi %shift_right_arithmetic3A_84, %broadcast_in_dim3A_8 : vector<16xi32>
    %min3A_86 = arith.minsi %max3A_85, %broadcast_in_dim3A_10 : vector<16xi32>
    %add3A_87 = arith.addi %min3A_81, %min3A_86 : vector<16xi32>
    %broadcast_in_dim3A_88 = arith.constant 4 : i32
    %broadcast_in_dim3A_89 = vector.broadcast %broadcast_in_dim3A_88 : i32 to vector<16xi32>
    %shift_right_arithmetic3A_90 = arith.shrsi %add3A_79, %broadcast_in_dim3A_89 : vector<16xi32>
    %max3A_91 = arith.maxsi %shift_right_arithmetic3A_90, %broadcast_in_dim3A_8 : vector<16xi32>
    %min3A_92 = arith.minsi %max3A_91, %broadcast_in_dim3A_10 : vector<16xi32>
    %add3A_93 = arith.addi %add3A_87, %min3A_92 : vector<16xi32>
    %broadcast_in_dim3A_94 = arith.constant 5 : i32
    %broadcast_in_dim3A_95 = vector.broadcast %broadcast_in_dim3A_94 : i32 to vector<16xi32>
    %shift_right_arithmetic3A_96 = arith.shrsi %add3A_79, %broadcast_in_dim3A_95 : vector<16xi32>
    %max3A_97 = arith.maxsi %shift_right_arithmetic3A_96, %broadcast_in_dim3A_8 : vector<16xi32>
    %min3A_98 = arith.minsi %max3A_97, %broadcast_in_dim3A_10 : vector<16xi32>
    %add3A_99 = arith.addi %add3A_93, %min3A_98 : vector<16xi32>
    %broadcast_in_dim3A_100 = arith.constant 6 : i32
    %broadcast_in_dim3A_101 = vector.broadcast %broadcast_in_dim3A_100 : i32 to vector<16xi32>
    %shift_right_arithmetic3A_102 = arith.shrsi %add3A_79, %broadcast_in_dim3A_101 : vector<16xi32>
    %max3A_103 = arith.maxsi %shift_right_arithmetic3A_102, %broadcast_in_dim3A_8 : vector<16xi32>
    %min3A_104 = arith.minsi %max3A_103, %broadcast_in_dim3A_10 : vector<16xi32>
    %add3A_105 = arith.addi %add3A_99, %min3A_104 : vector<16xi32>
    %mul3A_106 = arith.muli %add3A_105, %broadcast_in_dim3A_14 : vector<16xi32>
    %swap3A_107 = arith.constant 32 : index
    %swap3A_108 = tpu.vector_load %arg6[%swap3A_107] {strides = array<i32>} : memref<128xi32, #tpu.memory_space<vmem>>, vector<16xi32>,
    tpu.vector_store %arg6[%swap3A_107], %mul3A_106 {strides = array<i32>} : memref<128xi32, #tpu.memory_space<vmem>>, vector<16xi32>,
    %broadcast_in_dim3A_109 = arith.constant 48 : i32
    %broadcast_in_dim3A_110 = vector.broadcast %broadcast_in_dim3A_109 : i32 to vector<16xi32>
    %add3A_111 = arith.addi %iota3A, %broadcast_in_dim3A_110 : vector<16xi32>
    %max3A_112 = arith.maxsi %add3A_111, %broadcast_in_dim3A_8 : vector<16xi32>
    %min3A_113 = arith.minsi %max3A_112, %broadcast_in_dim3A_12 : vector<16xi32>
    %broadcast_in_dim3A_114 = arith.constant 3 : i32
    %broadcast_in_dim3A_115 = vector.broadcast %broadcast_in_dim3A_114 : i32 to vector<16xi32>
    %shift_right_arithmetic3A_116 = arith.shrsi %add3A_111, %broadcast_in_dim3A_115 : vector<16xi32>
    %max3A_117 = arith.maxsi %shift_right_arithmetic3A_116, %broadcast_in_dim3A_8 : vector<16xi32>
    %min3A_118 = arith.minsi %max3A_117, %broadcast_in_dim3A_10 : vector<16xi32>
    %add3A_119 = arith.addi %min3A_113, %min3A_118 : vector<16xi32>
    %broadcast_in_dim3A_120 = arith.constant 4 : i32
    %broadcast_in_dim3A_121 = vector.broadcast %broadcast_in_dim3A_120 : i32 to vector<16xi32>
    %shift_right_arithmetic3A_122 = arith.shrsi %add3A_111, %broadcast_in_dim3A_121 : vector<16xi32>
    %max3A_123 = arith.maxsi %shift_right_arithmetic3A_122, %broadcast_in_dim3A_8 : vector<16xi32>
    %min3A_124 = arith.minsi %max3A_123, %broadcast_in_dim3A_10 : vector<16xi32>
    %add3A_125 = arith.addi %add3A_119, %min3A_124 : vector<16xi32>
    %broadcast_in_dim3A_126 = arith.constant 5 : i32
    %broadcast_in_dim3A_127 = vector.broadcast %broadcast_in_dim3A_126 : i32 to vector<16xi32>
    %shift_right_arithmetic3A_128 = arith.shrsi %add3A_111, %broadcast_in_dim3A_127 : vector<16xi32>
    %max3A_129 = arith.maxsi %shift_right_arithmetic3A_128, %broadcast_in_dim3A_8 : vector<16xi32>
    %min3A_130 = arith.minsi %max3A_129, %broadcast_in_dim3A_10 : vector<16xi32>
    %add3A_131 = arith.addi %add3A_125, %min3A_130 : vector<16xi32>
    %broadcast_in_dim3A_132 = arith.constant 6 : i32
    %broadcast_in_dim3A_133 = vector.broadcast %broadcast_in_dim3A_132 : i32 to vector<16xi32>
    %shift_right_arithmetic3A_134 = arith.shrsi %add3A_111, %broadcast_in_dim3A_133 : vector<16xi32>
    %max3A_135 = arith.maxsi %shift_right_arithmetic3A_134, %broadcast_in_dim3A_8 : vector<16xi32>
    %min3A_136 = arith.minsi %max3A_135, %broadcast_in_dim3A_10 : vector<16xi32>
    %add3A_137 = arith.addi %add3A_131, %min3A_136 : vector<16xi32>
    %mul3A_138 = arith.muli %add3A_137, %broadcast_in_dim3A_14 : vector<16xi32>
    %swap3A_139 = arith.constant 48 : index
    %swap3A_140 = tpu.vector_load %arg6[%swap3A_139] {strides = array<i32>} : memref<128xi32, #tpu.memory_space<vmem>>, vector<16xi32>,
    tpu.vector_store %arg6[%swap3A_139], %mul3A_138 {strides = array<i32>} : memref<128xi32, #tpu.memory_space<vmem>>, vector<16xi32>,
    %broadcast_in_dim3A_141 = arith.constant 64 : i32
    %broadcast_in_dim3A_142 = vector.broadcast %broadcast_in_dim3A_141 : i32 to vector<16xi32>
    %add3A_143 = arith.addi %iota3A, %broadcast_in_dim3A_142 : vector<16xi32>
    %max3A_144 = arith.maxsi %add3A_143, %broadcast_in_dim3A_8 : vector<16xi32>
    %min3A_145 = arith.minsi %max3A_144, %broadcast_in_dim3A_12 : vector<16xi32>
    %broadcast_in_dim3A_146 = arith.constant 3 : i32
    %broadcast_in_dim3A_147 = vector.broadcast %broadcast_in_dim3A_146 : i32 to vector<16xi32>
    %shift_right_arithmetic3A_148 = arith.shrsi %add3A_143, %broadcast_in_dim3A_147 : vector<16xi32>
    %max3A_149 = arith.maxsi %shift_right_arithmetic3A_148, %broadcast_in_dim3A_8 : vector<16xi32>
    %min3A_150 = arith.minsi %max3A_149, %broadcast_in_dim3A_10 : vector<16xi32>
    %add3A_151 = arith.addi %min3A_145, %min3A_150 : vector<16xi32>
    %broadcast_in_dim3A_152 = arith.constant 4 : i32
    %broadcast_in_dim3A_153 = vector.broadcast %broadcast_in_dim3A_152 : i32 to vector<16xi32>
    %shift_right_arithmetic3A_154 = arith.shrsi %add3A_143, %broadcast_in_dim3A_153 : vector<16xi32>
    %max3A_155 = arith.maxsi %shift_right_arithmetic3A_154, %broadcast_in_dim3A_8 : vector<16xi32>
    %min3A_156 = arith.minsi %max3A_155, %broadcast_in_dim3A_10 : vector<16xi32>
    %add3A_157 = arith.addi %add3A_151, %min3A_156 : vector<16xi32>
    %broadcast_in_dim3A_158 = arith.constant 5 : i32
    %broadcast_in_dim3A_159 = vector.broadcast %broadcast_in_dim3A_158 : i32 to vector<16xi32>
    %shift_right_arithmetic3A_160 = arith.shrsi %add3A_143, %broadcast_in_dim3A_159 : vector<16xi32>
    %max3A_161 = arith.maxsi %shift_right_arithmetic3A_160, %broadcast_in_dim3A_8 : vector<16xi32>
    %min3A_162 = arith.minsi %max3A_161, %broadcast_in_dim3A_10 : vector<16xi32>
    %add3A_163 = arith.addi %add3A_157, %min3A_162 : vector<16xi32>
    %broadcast_in_dim3A_164 = arith.constant 6 : i32
    %broadcast_in_dim3A_165 = vector.broadcast %broadcast_in_dim3A_164 : i32 to vector<16xi32>
    %shift_right_arithmetic3A_166 = arith.shrsi %add3A_143, %broadcast_in_dim3A_165 : vector<16xi32>
    %max3A_167 = arith.maxsi %shift_right_arithmetic3A_166, %broadcast_in_dim3A_8 : vector<16xi32>
    %min3A_168 = arith.minsi %max3A_167, %broadcast_in_dim3A_10 : vector<16xi32>
    %add3A_169 = arith.addi %add3A_163, %min3A_168 : vector<16xi32>
    %mul3A_170 = arith.muli %add3A_169, %broadcast_in_dim3A_14 : vector<16xi32>
    %swap3A_171 = arith.constant 64 : index
    %swap3A_172 = tpu.vector_load %arg6[%swap3A_171] {strides = array<i32>} : memref<128xi32, #tpu.memory_space<vmem>>, vector<16xi32>,
    tpu.vector_store %arg6[%swap3A_171], %mul3A_170 {strides = array<i32>} : memref<128xi32, #tpu.memory_space<vmem>>, vector<16xi32>,
    %broadcast_in_dim3A_173 = arith.constant 80 : i32
    %broadcast_in_dim3A_174 = vector.broadcast %broadcast_in_dim3A_173 : i32 to vector<16xi32>
    %add3A_175 = arith.addi %iota3A, %broadcast_in_dim3A_174 : vector<16xi32>
    %max3A_176 = arith.maxsi %add3A_175, %broadcast_in_dim3A_8 : vector<16xi32>
    %min3A_177 = arith.minsi %max3A_176, %broadcast_in_dim3A_12 : vector<16xi32>
    %broadcast_in_dim3A_178 = arith.constant 3 : i32
    %broadcast_in_dim3A_179 = vector.broadcast %broadcast_in_dim3A_178 : i32 to vector<16xi32>
    %shift_right_arithmetic3A_180 = arith.shrsi %add3A_175, %broadcast_in_dim3A_179 : vector<16xi32>
    %max3A_181 = arith.maxsi %shift_right_arithmetic3A_180, %broadcast_in_dim3A_8 : vector<16xi32>
    %min3A_182 = arith.minsi %max3A_181, %broadcast_in_dim3A_10 : vector<16xi32>
    %add3A_183 = arith.addi %min3A_177, %min3A_182 : vector<16xi32>
    %broadcast_in_dim3A_184 = arith.constant 4 : i32
    %broadcast_in_dim3A_185 = vector.broadcast %broadcast_in_dim3A_184 : i32 to vector<16xi32>
    %shift_right_arithmetic3A_186 = arith.shrsi %add3A_175, %broadcast_in_dim3A_185 : vector<16xi32>
    %max3A_187 = arith.maxsi %shift_right_arithmetic3A_186, %broadcast_in_dim3A_8 : vector<16xi32>
    %min3A_188 = arith.minsi %max3A_187, %broadcast_in_dim3A_10 : vector<16xi32>
    %add3A_189 = arith.addi %add3A_183, %min3A_188 : vector<16xi32>
    %broadcast_in_dim3A_190 = arith.constant 5 : i32
    %broadcast_in_dim3A_191 = vector.broadcast %broadcast_in_dim3A_190 : i32 to vector<16xi32>
    %shift_right_arithmetic3A_192 = arith.shrsi %add3A_175, %broadcast_in_dim3A_191 : vector<16xi32>
    %max3A_193 = arith.maxsi %shift_right_arithmetic3A_192, %broadcast_in_dim3A_8 : vector<16xi32>
    %min3A_194 = arith.minsi %max3A_193, %broadcast_in_dim3A_10 : vector<16xi32>
    %add3A_195 = arith.addi %add3A_189, %min3A_194 : vector<16xi32>
    %broadcast_in_dim3A_196 = arith.constant 6 : i32
    %broadcast_in_dim3A_197 = vector.broadcast %broadcast_in_dim3A_196 : i32 to vector<16xi32>
    %shift_right_arithmetic3A_198 = arith.shrsi %add3A_175, %broadcast_in_dim3A_197 : vector<16xi32>
    %max3A_199 = arith.maxsi %shift_right_arithmetic3A_198, %broadcast_in_dim3A_8 : vector<16xi32>
    %min3A_200 = arith.minsi %max3A_199, %broadcast_in_dim3A_10 : vector<16xi32>
    %add3A_201 = arith.addi %add3A_195, %min3A_200 : vector<16xi32>
    %mul3A_202 = arith.muli %add3A_201, %broadcast_in_dim3A_14 : vector<16xi32>
    %swap3A_203 = arith.constant 80 : index
    %swap3A_204 = tpu.vector_load %arg6[%swap3A_203] {strides = array<i32>} : memref<128xi32, #tpu.memory_space<vmem>>, vector<16xi32>,
    tpu.vector_store %arg6[%swap3A_203], %mul3A_202 {strides = array<i32>} : memref<128xi32, #tpu.memory_space<vmem>>, vector<16xi32>,
    %broadcast_in_dim3A_205 = arith.constant 96 : i32
    %broadcast_in_dim3A_206 = vector.broadcast %broadcast_in_dim3A_205 : i32 to vector<16xi32>
    %add3A_207 = arith.addi %iota3A, %broadcast_in_dim3A_206 : vector<16xi32>
    %max3A_208 = arith.maxsi %add3A_207, %broadcast_in_dim3A_8 : vector<16xi32>
    %min3A_209 = arith.minsi %max3A_208, %broadcast_in_dim3A_12 : vector<16xi32>
    %broadcast_in_dim3A_210 = arith.constant 3 : i32
    %broadcast_in_dim3A_211 = vector.broadcast %broadcast_in_dim3A_210 : i32 to vector<16xi32>
    %shift_right_arithmetic3A_212 = arith.shrsi %add3A_207, %broadcast_in_dim3A_211 : vector<16xi32>
    %max3A_213 = arith.maxsi %shift_right_arithmetic3A_212, %broadcast_in_dim3A_8 : vector<16xi32>
    %min3A_214 = arith.minsi %max3A_213, %broadcast_in_dim3A_10 : vector<16xi32>
    %add3A_215 = arith.addi %min3A_209, %min3A_214 : vector<16xi32>
    %broadcast_in_dim3A_216 = arith.constant 4 : i32
    %broadcast_in_dim3A_217 = vector.broadcast %broadcast_in_dim3A_216 : i32 to vector<16xi32>
    %shift_right_arithmetic3A_218 = arith.shrsi %add3A_207, %broadcast_in_dim3A_217 : vector<16xi32>
    %max3A_219 = arith.maxsi %shift_right_arithmetic3A_218, %broadcast_in_dim3A_8 : vector<16xi32>
    %min3A_220 = arith.minsi %max3A_219, %broadcast_in_dim3A_10 : vector<16xi32>
    %add3A_221 = arith.addi %add3A_215, %min3A_220 : vector<16xi32>
    %broadcast_in_dim3A_222 = arith.constant 5 : i32
    %broadcast_in_dim3A_223 = vector.broadcast %broadcast_in_dim3A_222 : i32 to vector<16xi32>
    %shift_right_arithmetic3A_224 = arith.shrsi %add3A_207, %broadcast_in_dim3A_223 : vector<16xi32>
    %max3A_225 = arith.maxsi %shift_right_arithmetic3A_224, %broadcast_in_dim3A_8 : vector<16xi32>
    %min3A_226 = arith.minsi %max3A_225, %broadcast_in_dim3A_10 : vector<16xi32>
    %add3A_227 = arith.addi %add3A_221, %min3A_226 : vector<16xi32>
    %broadcast_in_dim3A_228 = arith.constant 6 : i32
    %broadcast_in_dim3A_229 = vector.broadcast %broadcast_in_dim3A_228 : i32 to vector<16xi32>
    %shift_right_arithmetic3A_230 = arith.shrsi %add3A_207, %broadcast_in_dim3A_229 : vector<16xi32>
    %max3A_231 = arith.maxsi %shift_right_arithmetic3A_230, %broadcast_in_dim3A_8 : vector<16xi32>
    %min3A_232 = arith.minsi %max3A_231, %broadcast_in_dim3A_10 : vector<16xi32>
    %add3A_233 = arith.addi %add3A_227, %min3A_232 : vector<16xi32>
    %mul3A_234 = arith.muli %add3A_233, %broadcast_in_dim3A_14 : vector<16xi32>
    %swap3A_235 = arith.constant 96 : index
    %swap3A_236 = tpu.vector_load %arg6[%swap3A_235] {strides = array<i32>} : memref<128xi32, #tpu.memory_space<vmem>>, vector<16xi32>,
    tpu.vector_store %arg6[%swap3A_235], %mul3A_234 {strides = array<i32>} : memref<128xi32, #tpu.memory_space<vmem>>, vector<16xi32>,
    %broadcast_in_dim3A_237 = arith.constant 112 : i32
    %broadcast_in_dim3A_238 = vector.broadcast %broadcast_in_dim3A_237 : i32 to vector<16xi32>
    %add3A_239 = arith.addi %iota3A, %broadcast_in_dim3A_238 : vector<16xi32>
    %max3A_240 = arith.maxsi %add3A_239, %broadcast_in_dim3A_8 : vector<16xi32>
    %min3A_241 = arith.minsi %max3A_240, %broadcast_in_dim3A_12 : vector<16xi32>
    %broadcast_in_dim3A_242 = arith.constant 3 : i32
    %broadcast_in_dim3A_243 = vector.broadcast %broadcast_in_dim3A_242 : i32 to vector<16xi32>
    %shift_right_arithmetic3A_244 = arith.shrsi %add3A_239, %broadcast_in_dim3A_243 : vector<16xi32>
    %max3A_245 = arith.maxsi %shift_right_arithmetic3A_244, %broadcast_in_dim3A_8 : vector<16xi32>
    %min3A_246 = arith.minsi %max3A_245, %broadcast_in_dim3A_10 : vector<16xi32>
    %add3A_247 = arith.addi %min3A_241, %min3A_246 : vector<16xi32>
    %broadcast_in_dim3A_248 = arith.constant 4 : i32
    %broadcast_in_dim3A_249 = vector.broadcast %broadcast_in_dim3A_248 : i32 to vector<16xi32>
    %shift_right_arithmetic3A_250 = arith.shrsi %add3A_239, %broadcast_in_dim3A_249 : vector<16xi32>
    %max3A_251 = arith.maxsi %shift_right_arithmetic3A_250, %broadcast_in_dim3A_8 : vector<16xi32>
    %min3A_252 = arith.minsi %max3A_251, %broadcast_in_dim3A_10 : vector<16xi32>
    %add3A_253 = arith.addi %add3A_247, %min3A_252 : vector<16xi32>
    %broadcast_in_dim3A_254 = arith.constant 5 : i32
    %broadcast_in_dim3A_255 = vector.broadcast %broadcast_in_dim3A_254 : i32 to vector<16xi32>
    %shift_right_arithmetic3A_256 = arith.shrsi %add3A_239, %broadcast_in_dim3A_255 : vector<16xi32>
    %max3A_257 = arith.maxsi %shift_right_arithmetic3A_256, %broadcast_in_dim3A_8 : vector<16xi32>
    %min3A_258 = arith.minsi %max3A_257, %broadcast_in_dim3A_10 : vector<16xi32>
    %add3A_259 = arith.addi %add3A_253, %min3A_258 : vector<16xi32>
    %broadcast_in_dim3A_260 = arith.constant 6 : i32
    %broadcast_in_dim3A_261 = vector.broadcast %broadcast_in_dim3A_260 : i32 to vector<16xi32>
    %shift_right_arithmetic3A_262 = arith.shrsi %add3A_239, %broadcast_in_dim3A_261 : vector<16xi32>
    %max3A_263 = arith.maxsi %shift_right_arithmetic3A_262, %broadcast_in_dim3A_8 : vector<16xi32>
    %min3A_264 = arith.minsi %max3A_263, %broadcast_in_dim3A_10 : vector<16xi32>
    %add3A_265 = arith.addi %add3A_259, %min3A_264 : vector<16xi32>
    %mul3A_266 = arith.muli %add3A_265, %broadcast_in_dim3A_14 : vector<16xi32>
    %swap3A_267 = arith.constant 112 : index
    %swap3A_268 = tpu.vector_load %arg6[%swap3A_267] {strides = array<i32>} : memref<128xi32, #tpu.memory_space<vmem>>, vector<16xi32>,
    tpu.vector_store %arg6[%swap3A_267], %mul3A_266 {strides = array<i32>} : memref<128xi32, #tpu.memory_space<vmem>>, vector<16xi32>,
    %broadcast_in_dim3A_269 = arith.constant 0 : i32
    %broadcast_in_dim3A_270 = vector.broadcast %broadcast_in_dim3A_269 : i32 to vector<16xi32>
    %broadcast_in_dim3A_271 = arith.constant 1 : i32
    %broadcast_in_dim3A_272 = vector.broadcast %broadcast_in_dim3A_271 : i32 to vector<16xi32>
    %broadcast_in_dim3A_273 = arith.constant 2 : i32
    %broadcast_in_dim3A_274 = vector.broadcast %broadcast_in_dim3A_273 : i32 to vector<16xi32>
    %broadcast_in_dim3A_275 = arith.constant 3 : i32
    %broadcast_in_dim3A_276 = vector.broadcast %broadcast_in_dim3A_275 : i32 to vector<16xi32>
    %broadcast_in_dim3A_277 = arith.constant 4 : i32
    %broadcast_in_dim3A_278 = vector.broadcast %broadcast_in_dim3A_277 : i32 to vector<16xi32>
    %broadcast_in_dim3A_279 = arith.constant 5 : i32
    %broadcast_in_dim3A_280 = vector.broadcast %broadcast_in_dim3A_279 : i32 to vector<16xi32>
    %broadcast_in_dim3A_281 = arith.constant 6 : i32
    %broadcast_in_dim3A_282 = vector.broadcast %broadcast_in_dim3A_281 : i32 to vector<16xi32>
    %broadcast_in_dim3A_283 = arith.constant 7 : i32
    %broadcast_in_dim3A_284 = vector.broadcast %broadcast_in_dim3A_283 : i32 to vector<16xi32>
    %broadcast_in_dim3A_285 = arith.constant 8 : i32
    %broadcast_in_dim3A_286 = vector.broadcast %broadcast_in_dim3A_285 : i32 to vector<16xi32>
    %broadcast_in_dim3A_287 = arith.constant 9 : i32
    %broadcast_in_dim3A_288 = vector.broadcast %broadcast_in_dim3A_287 : i32 to vector<16xi32>
    %broadcast_in_dim3A_289 = arith.constant 10 : i32
    %broadcast_in_dim3A_290 = vector.broadcast %broadcast_in_dim3A_289 : i32 to vector<16xi32>
    %broadcast_in_dim3A_291 = arith.constant 11 : i32
    %broadcast_in_dim3A_292 = vector.broadcast %broadcast_in_dim3A_291 : i32 to vector<16xi32>
    %broadcast_in_dim3A_293 = arith.constant 12 : i32
    %broadcast_in_dim3A_294 = vector.broadcast %broadcast_in_dim3A_293 : i32 to vector<16xi32>
    %broadcast_in_dim3A_295 = arith.constant 13 : i32
    %broadcast_in_dim3A_296 = vector.broadcast %broadcast_in_dim3A_295 : i32 to vector<16xi32>
    %broadcast_in_dim3A_297 = arith.constant 14 : i32
    %broadcast_in_dim3A_298 = vector.broadcast %broadcast_in_dim3A_297 : i32 to vector<16xi32>
    %broadcast_in_dim3A_299 = arith.constant 15 : i32
    %broadcast_in_dim3A_300 = vector.broadcast %broadcast_in_dim3A_299 : i32 to vector<16xi32>
    %broadcast_in_dim3A_301 = arith.constant 16 : i32
    %broadcast_in_dim3A_302 = vector.broadcast %broadcast_in_dim3A_301 : i32 to vector<16xi32>
    %broadcast_in_dim3A_303 = arith.constant 17 : i32
    %broadcast_in_dim3A_304 = vector.broadcast %broadcast_in_dim3A_303 : i32 to vector<16xi32>
    %broadcast_in_dim3A_305 = arith.constant 18 : i32
    %broadcast_in_dim3A_306 = vector.broadcast %broadcast_in_dim3A_305 : i32 to vector<16xi32>
    %broadcast_in_dim3A_307 = arith.constant 19 : i32
    %broadcast_in_dim3A_308 = vector.broadcast %broadcast_in_dim3A_307 : i32 to vector<16xi32>
    %dma_wait3A = tpu.memref_slice %arg2[%mul3A_2] : memref<16384xi32, #tpu.memory_space<hbm>> -> memref<512xi32, #tpu.memory_space<hbm>>
    %dma_wait3A_309 = tpu.memref_slice %arg2[%mul3A_2] : memref<16384xi32, #tpu.memory_space<hbm>> -> memref<512xi32, #tpu.memory_space<hbm>>
    tpu.wait_dma2 semaphore(%arg9 : memref<!tpu.dma_semaphore, #tpu.memory_space<semaphore_mem>>) src(%dma_wait3A_309 : memref<512xi32, #tpu.memory_space<hbm>>) dst(%arg5 : memref<512xi32, #tpu.memory_space<vmem>>)
    %dma_wait3A_310 = arith.constant 0 : i32
    %dma_wait3A_311 = tpu.memref_slice %arg7[%dma_wait3A_310] : memref<192xf32, #tpu.memory_space<vmem>> -> memref<180xf32, #tpu.memory_space<vmem>>
    %dma_wait3A_312 = arith.constant 0 : i32
    %dma_wait3A_313 = tpu.memref_slice %arg7[%dma_wait3A_312] : memref<192xf32, #tpu.memory_space<vmem>> -> memref<180xf32, #tpu.memory_space<vmem>>
    tpu.wait_dma2 semaphore(%arg9 : memref<!tpu.dma_semaphore, #tpu.memory_space<semaphore_mem>>) src(%arg3 : memref<180xf32, #tpu.memory_space<hbm>>) dst(%dma_wait3A_313 : memref<180xf32, #tpu.memory_space<vmem>>)
    %parallel_loop3A = arith.constant 0 : i32
    %parallel_loop3A_314 = arith.constant 32 : i32
    %parallel_loop3A_315 = arith.constant 1 : i32
    scf.for %parallel_loop3A_324 = %parallel_loop3A to %parallel_loop3A_314 step %parallel_loop3A_315  : i32 {
      %parallel_loop3A_325 = arith.constant 16 : i32
      %parallel_loop3A_326 = arith.muli %parallel_loop3A_324, %parallel_loop3A_325 : i32
      %parallel_loop3A_327 = arith.index_cast %parallel_loop3A_326 : i32 to index
      %parallel_loop3A_328 = tpu.vector_load %arg5[%parallel_loop3A_327] {strides = array<i32>} : memref<512xi32, #tpu.memory_space<vmem>>, vector<16xi32>,
      %parallel_loop3A_329 = arith.maxsi %parallel_loop3A_328, %broadcast_in_dim3A_8 : vector<16xi32>
      %parallel_loop3A_330 = arith.minsi %parallel_loop3A_329, %broadcast_in_dim3A_16 : vector<16xi32>
      %parallel_loop3A_331 = tpu.vector_load_idx %arg6[%parallel_loop3A_330] : memref<128xi32, #tpu.memory_space<vmem>>[vector<16xi32>], vector<16xi32>,
      %parallel_loop3A_332 = arith.addi %parallel_loop3A_331, %broadcast_in_dim3A_270 : vector<16xi32>
      %parallel_loop3A_333 = tpu.vector_load_idx %arg7[%parallel_loop3A_332] : memref<192xf32, #tpu.memory_space<vmem>>[vector<16xi32>], vector<16xf32>,
      %parallel_loop3A_334 = arith.constant 16 : i32
      %parallel_loop3A_335 = arith.muli %parallel_loop3A_324, %parallel_loop3A_334 : i32
      %parallel_loop3A_336 = arith.constant 0 : i32
      %parallel_loop3A_337 = arith.index_cast %parallel_loop3A_336 : i32 to index
      %parallel_loop3A_338 = arith.index_cast %parallel_loop3A_335 : i32 to index
      %parallel_loop3A_339 = tpu.vector_load %arg8[%parallel_loop3A_337, %parallel_loop3A_338] {strides = array<i32>} : memref<20x512xf32, #tpu.memory_space<vmem>>, vector<16xf32>,
      tpu.vector_store %arg8[%parallel_loop3A_337, %parallel_loop3A_338], %parallel_loop3A_333 {strides = array<i32>} : memref<20x512xf32, #tpu.memory_space<vmem>>, vector<16xf32>,
      %parallel_loop3A_340 = arith.addi %parallel_loop3A_331, %broadcast_in_dim3A_272 : vector<16xi32>
      %parallel_loop3A_341 = tpu.vector_load_idx %arg7[%parallel_loop3A_340] : memref<192xf32, #tpu.memory_space<vmem>>[vector<16xi32>], vector<16xf32>,
      %parallel_loop3A_342 = arith.constant 16 : i32
      %parallel_loop3A_343 = arith.muli %parallel_loop3A_324, %parallel_loop3A_342 : i32
      %parallel_loop3A_344 = arith.constant 1 : i32
      %parallel_loop3A_345 = arith.index_cast %parallel_loop3A_344 : i32 to index
      %parallel_loop3A_346 = arith.index_cast %parallel_loop3A_343 : i32 to index
      %parallel_loop3A_347 = tpu.vector_load %arg8[%parallel_loop3A_345, %parallel_loop3A_346] {strides = array<i32>} : memref<20x512xf32, #tpu.memory_space<vmem>>, vector<16xf32>,
      tpu.vector_store %arg8[%parallel_loop3A_345, %parallel_loop3A_346], %parallel_loop3A_341 {strides = array<i32>} : memref<20x512xf32, #tpu.memory_space<vmem>>, vector<16xf32>,
      %parallel_loop3A_348 = arith.addi %parallel_loop3A_331, %broadcast_in_dim3A_274 : vector<16xi32>
      %parallel_loop3A_349 = tpu.vector_load_idx %arg7[%parallel_loop3A_348] : memref<192xf32, #tpu.memory_space<vmem>>[vector<16xi32>], vector<16xf32>,
      %parallel_loop3A_350 = arith.constant 16 : i32
      %parallel_loop3A_351 = arith.muli %parallel_loop3A_324, %parallel_loop3A_350 : i32
      %parallel_loop3A_352 = arith.constant 2 : i32
      %parallel_loop3A_353 = arith.index_cast %parallel_loop3A_352 : i32 to index
      %parallel_loop3A_354 = arith.index_cast %parallel_loop3A_351 : i32 to index
      %parallel_loop3A_355 = tpu.vector_load %arg8[%parallel_loop3A_353, %parallel_loop3A_354] {strides = array<i32>} : memref<20x512xf32, #tpu.memory_space<vmem>>, vector<16xf32>,
      tpu.vector_store %arg8[%parallel_loop3A_353, %parallel_loop3A_354], %parallel_loop3A_349 {strides = array<i32>} : memref<20x512xf32, #tpu.memory_space<vmem>>, vector<16xf32>,
      %parallel_loop3A_356 = arith.addi %parallel_loop3A_331, %broadcast_in_dim3A_276 : vector<16xi32>
      %parallel_loop3A_357 = tpu.vector_load_idx %arg7[%parallel_loop3A_356] : memref<192xf32, #tpu.memory_space<vmem>>[vector<16xi32>], vector<16xf32>,
      %parallel_loop3A_358 = arith.constant 16 : i32
      %parallel_loop3A_359 = arith.muli %parallel_loop3A_324, %parallel_loop3A_358 : i32
      %parallel_loop3A_360 = arith.constant 3 : i32
      %parallel_loop3A_361 = arith.index_cast %parallel_loop3A_360 : i32 to index
      %parallel_loop3A_362 = arith.index_cast %parallel_loop3A_359 : i32 to index
      %parallel_loop3A_363 = tpu.vector_load %arg8[%parallel_loop3A_361, %parallel_loop3A_362] {strides = array<i32>} : memref<20x512xf32, #tpu.memory_space<vmem>>, vector<16xf32>,
      tpu.vector_store %arg8[%parallel_loop3A_361, %parallel_loop3A_362], %parallel_loop3A_357 {strides = array<i32>} : memref<20x512xf32, #tpu.memory_space<vmem>>, vector<16xf32>,
      %parallel_loop3A_364 = arith.addi %parallel_loop3A_331, %broadcast_in_dim3A_278 : vector<16xi32>
      %parallel_loop3A_365 = tpu.vector_load_idx %arg7[%parallel_loop3A_364] : memref<192xf32, #tpu.memory_space<vmem>>[vector<16xi32>], vector<16xf32>,
      %parallel_loop3A_366 = arith.constant 16 : i32
      %parallel_loop3A_367 = arith.muli %parallel_loop3A_324, %parallel_loop3A_366 : i32
      %parallel_loop3A_368 = arith.constant 4 : i32
      %parallel_loop3A_369 = arith.index_cast %parallel_loop3A_368 : i32 to index
      %parallel_loop3A_370 = arith.index_cast %parallel_loop3A_367 : i32 to index
      %parallel_loop3A_371 = tpu.vector_load %arg8[%parallel_loop3A_369, %parallel_loop3A_370] {strides = array<i32>} : memref<20x512xf32, #tpu.memory_space<vmem>>, vector<16xf32>,
      tpu.vector_store %arg8[%parallel_loop3A_369, %parallel_loop3A_370], %parallel_loop3A_365 {strides = array<i32>} : memref<20x512xf32, #tpu.memory_space<vmem>>, vector<16xf32>,
      %parallel_loop3A_372 = arith.addi %parallel_loop3A_331, %broadcast_in_dim3A_280 : vector<16xi32>
      %parallel_loop3A_373 = tpu.vector_load_idx %arg7[%parallel_loop3A_372] : memref<192xf32, #tpu.memory_space<vmem>>[vector<16xi32>], vector<16xf32>,
      %parallel_loop3A_374 = arith.constant 16 : i32
      %parallel_loop3A_375 = arith.muli %parallel_loop3A_324, %parallel_loop3A_374 : i32
      %parallel_loop3A_376 = arith.constant 5 : i32
      %parallel_loop3A_377 = arith.index_cast %parallel_loop3A_376 : i32 to index
      %parallel_loop3A_378 = arith.index_cast %parallel_loop3A_375 : i32 to index
      %parallel_loop3A_379 = tpu.vector_load %arg8[%parallel_loop3A_377, %parallel_loop3A_378] {strides = array<i32>} : memref<20x512xf32, #tpu.memory_space<vmem>>, vector<16xf32>,
      tpu.vector_store %arg8[%parallel_loop3A_377, %parallel_loop3A_378], %parallel_loop3A_373 {strides = array<i32>} : memref<20x512xf32, #tpu.memory_space<vmem>>, vector<16xf32>,
      %parallel_loop3A_380 = arith.addi %parallel_loop3A_331, %broadcast_in_dim3A_282 : vector<16xi32>
      %parallel_loop3A_381 = tpu.vector_load_idx %arg7[%parallel_loop3A_380] : memref<192xf32, #tpu.memory_space<vmem>>[vector<16xi32>], vector<16xf32>,
      %parallel_loop3A_382 = arith.constant 16 : i32
      %parallel_loop3A_383 = arith.muli %parallel_loop3A_324, %parallel_loop3A_382 : i32
      %parallel_loop3A_384 = arith.constant 6 : i32
      %parallel_loop3A_385 = arith.index_cast %parallel_loop3A_384 : i32 to index
      %parallel_loop3A_386 = arith.index_cast %parallel_loop3A_383 : i32 to index
      %parallel_loop3A_387 = tpu.vector_load %arg8[%parallel_loop3A_385, %parallel_loop3A_386] {strides = array<i32>} : memref<20x512xf32, #tpu.memory_space<vmem>>, vector<16xf32>,
      tpu.vector_store %arg8[%parallel_loop3A_385, %parallel_loop3A_386], %parallel_loop3A_381 {strides = array<i32>} : memref<20x512xf32, #tpu.memory_space<vmem>>, vector<16xf32>,
      %parallel_loop3A_388 = arith.addi %parallel_loop3A_331, %broadcast_in_dim3A_284 : vector<16xi32>
      %parallel_loop3A_389 = tpu.vector_load_idx %arg7[%parallel_loop3A_388] : memref<192xf32, #tpu.memory_space<vmem>>[vector<16xi32>], vector<16xf32>,
      %parallel_loop3A_390 = arith.constant 16 : i32
      %parallel_loop3A_391 = arith.muli %parallel_loop3A_324, %parallel_loop3A_390 : i32
      %parallel_loop3A_392 = arith.constant 7 : i32
      %parallel_loop3A_393 = arith.index_cast %parallel_loop3A_392 : i32 to index
      %parallel_loop3A_394 = arith.index_cast %parallel_loop3A_391 : i32 to index
      %parallel_loop3A_395 = tpu.vector_load %arg8[%parallel_loop3A_393, %parallel_loop3A_394] {strides = array<i32>} : memref<20x512xf32, #tpu.memory_space<vmem>>, vector<16xf32>,
      tpu.vector_store %arg8[%parallel_loop3A_393, %parallel_loop3A_394], %parallel_loop3A_389 {strides = array<i32>} : memref<20x512xf32, #tpu.memory_space<vmem>>, vector<16xf32>,
      %parallel_loop3A_396 = arith.addi %parallel_loop3A_331, %broadcast_in_dim3A_286 : vector<16xi32>
      %parallel_loop3A_397 = tpu.vector_load_idx %arg7[%parallel_loop3A_396] : memref<192xf32, #tpu.memory_space<vmem>>[vector<16xi32>], vector<16xf32>,
      %parallel_loop3A_398 = arith.constant 16 : i32
      %parallel_loop3A_399 = arith.muli %parallel_loop3A_324, %parallel_loop3A_398 : i32
      %parallel_loop3A_400 = arith.constant 8 : i32
      %parallel_loop3A_401 = arith.index_cast %parallel_loop3A_400 : i32 to index
      %parallel_loop3A_402 = arith.index_cast %parallel_loop3A_399 : i32 to index
      %parallel_loop3A_403 = tpu.vector_load %arg8[%parallel_loop3A_401, %parallel_loop3A_402] {strides = array<i32>} : memref<20x512xf32, #tpu.memory_space<vmem>>, vector<16xf32>,
      tpu.vector_store %arg8[%parallel_loop3A_401, %parallel_loop3A_402], %parallel_loop3A_397 {strides = array<i32>} : memref<20x512xf32, #tpu.memory_space<vmem>>, vector<16xf32>,
      %parallel_loop3A_404 = arith.addi %parallel_loop3A_331, %broadcast_in_dim3A_288 : vector<16xi32>
      %parallel_loop3A_405 = tpu.vector_load_idx %arg7[%parallel_loop3A_404] : memref<192xf32, #tpu.memory_space<vmem>>[vector<16xi32>], vector<16xf32>,
      %parallel_loop3A_406 = arith.constant 16 : i32
      %parallel_loop3A_407 = arith.muli %parallel_loop3A_324, %parallel_loop3A_406 : i32
      %parallel_loop3A_408 = arith.constant 9 : i32
      %parallel_loop3A_409 = arith.index_cast %parallel_loop3A_408 : i32 to index
      %parallel_loop3A_410 = arith.index_cast %parallel_loop3A_407 : i32 to index
      %parallel_loop3A_411 = tpu.vector_load %arg8[%parallel_loop3A_409, %parallel_loop3A_410] {strides = array<i32>} : memref<20x512xf32, #tpu.memory_space<vmem>>, vector<16xf32>,
      tpu.vector_store %arg8[%parallel_loop3A_409, %parallel_loop3A_410], %parallel_loop3A_405 {strides = array<i32>} : memref<20x512xf32, #tpu.memory_space<vmem>>, vector<16xf32>,
      %parallel_loop3A_412 = arith.addi %parallel_loop3A_331, %broadcast_in_dim3A_290 : vector<16xi32>
      %parallel_loop3A_413 = tpu.vector_load_idx %arg7[%parallel_loop3A_412] : memref<192xf32, #tpu.memory_space<vmem>>[vector<16xi32>], vector<16xf32>,
      %parallel_loop3A_414 = arith.constant 16 : i32
      %parallel_loop3A_415 = arith.muli %parallel_loop3A_324, %parallel_loop3A_414 : i32
      %parallel_loop3A_416 = arith.constant 10 : i32
      %parallel_loop3A_417 = arith.index_cast %parallel_loop3A_416 : i32 to index
      %parallel_loop3A_418 = arith.index_cast %parallel_loop3A_415 : i32 to index
      %parallel_loop3A_419 = tpu.vector_load %arg8[%parallel_loop3A_417, %parallel_loop3A_418] {strides = array<i32>} : memref<20x512xf32, #tpu.memory_space<vmem>>, vector<16xf32>,
      tpu.vector_store %arg8[%parallel_loop3A_417, %parallel_loop3A_418], %parallel_loop3A_413 {strides = array<i32>} : memref<20x512xf32, #tpu.memory_space<vmem>>, vector<16xf32>,
      %parallel_loop3A_420 = arith.addi %parallel_loop3A_331, %broadcast_in_dim3A_292 : vector<16xi32>
      %parallel_loop3A_421 = tpu.vector_load_idx %arg7[%parallel_loop3A_420] : memref<192xf32, #tpu.memory_space<vmem>>[vector<16xi32>], vector<16xf32>,
      %parallel_loop3A_422 = arith.constant 16 : i32
      %parallel_loop3A_423 = arith.muli %parallel_loop3A_324, %parallel_loop3A_422 : i32
      %parallel_loop3A_424 = arith.constant 11 : i32
      %parallel_loop3A_425 = arith.index_cast %parallel_loop3A_424 : i32 to index
      %parallel_loop3A_426 = arith.index_cast %parallel_loop3A_423 : i32 to index
      %parallel_loop3A_427 = tpu.vector_load %arg8[%parallel_loop3A_425, %parallel_loop3A_426] {strides = array<i32>} : memref<20x512xf32, #tpu.memory_space<vmem>>, vector<16xf32>,
      tpu.vector_store %arg8[%parallel_loop3A_425, %parallel_loop3A_426], %parallel_loop3A_421 {strides = array<i32>} : memref<20x512xf32, #tpu.memory_space<vmem>>, vector<16xf32>,
      %parallel_loop3A_428 = arith.addi %parallel_loop3A_331, %broadcast_in_dim3A_294 : vector<16xi32>
      %parallel_loop3A_429 = tpu.vector_load_idx %arg7[%parallel_loop3A_428] : memref<192xf32, #tpu.memory_space<vmem>>[vector<16xi32>], vector<16xf32>,
      %parallel_loop3A_430 = arith.constant 16 : i32
      %parallel_loop3A_431 = arith.muli %parallel_loop3A_324, %parallel_loop3A_430 : i32
      %parallel_loop3A_432 = arith.constant 12 : i32
      %parallel_loop3A_433 = arith.index_cast %parallel_loop3A_432 : i32 to index
      %parallel_loop3A_434 = arith.index_cast %parallel_loop3A_431 : i32 to index
      %parallel_loop3A_435 = tpu.vector_load %arg8[%parallel_loop3A_433, %parallel_loop3A_434] {strides = array<i32>} : memref<20x512xf32, #tpu.memory_space<vmem>>, vector<16xf32>,
      tpu.vector_store %arg8[%parallel_loop3A_433, %parallel_loop3A_434], %parallel_loop3A_429 {strides = array<i32>} : memref<20x512xf32, #tpu.memory_space<vmem>>, vector<16xf32>,
      %parallel_loop3A_436 = arith.addi %parallel_loop3A_331, %broadcast_in_dim3A_296 : vector<16xi32>
      %parallel_loop3A_437 = tpu.vector_load_idx %arg7[%parallel_loop3A_436] : memref<192xf32, #tpu.memory_space<vmem>>[vector<16xi32>], vector<16xf32>,
      %parallel_loop3A_438 = arith.constant 16 : i32
      %parallel_loop3A_439 = arith.muli %parallel_loop3A_324, %parallel_loop3A_438 : i32
      %parallel_loop3A_440 = arith.constant 13 : i32
      %parallel_loop3A_441 = arith.index_cast %parallel_loop3A_440 : i32 to index
      %parallel_loop3A_442 = arith.index_cast %parallel_loop3A_439 : i32 to index
      %parallel_loop3A_443 = tpu.vector_load %arg8[%parallel_loop3A_441, %parallel_loop3A_442] {strides = array<i32>} : memref<20x512xf32, #tpu.memory_space<vmem>>, vector<16xf32>,
      tpu.vector_store %arg8[%parallel_loop3A_441, %parallel_loop3A_442], %parallel_loop3A_437 {strides = array<i32>} : memref<20x512xf32, #tpu.memory_space<vmem>>, vector<16xf32>,
      %parallel_loop3A_444 = arith.addi %parallel_loop3A_331, %broadcast_in_dim3A_298 : vector<16xi32>
      %parallel_loop3A_445 = tpu.vector_load_idx %arg7[%parallel_loop3A_444] : memref<192xf32, #tpu.memory_space<vmem>>[vector<16xi32>], vector<16xf32>,
      %parallel_loop3A_446 = arith.constant 16 : i32
      %parallel_loop3A_447 = arith.muli %parallel_loop3A_324, %parallel_loop3A_446 : i32
      %parallel_loop3A_448 = arith.constant 14 : i32
      %parallel_loop3A_449 = arith.index_cast %parallel_loop3A_448 : i32 to index
      %parallel_loop3A_450 = arith.index_cast %parallel_loop3A_447 : i32 to index
      %parallel_loop3A_451 = tpu.vector_load %arg8[%parallel_loop3A_449, %parallel_loop3A_450] {strides = array<i32>} : memref<20x512xf32, #tpu.memory_space<vmem>>, vector<16xf32>,
      tpu.vector_store %arg8[%parallel_loop3A_449, %parallel_loop3A_450], %parallel_loop3A_445 {strides = array<i32>} : memref<20x512xf32, #tpu.memory_space<vmem>>, vector<16xf32>,
      %parallel_loop3A_452 = arith.addi %parallel_loop3A_331, %broadcast_in_dim3A_300 : vector<16xi32>
      %parallel_loop3A_453 = tpu.vector_load_idx %arg7[%parallel_loop3A_452] : memref<192xf32, #tpu.memory_space<vmem>>[vector<16xi32>], vector<16xf32>,
      %parallel_loop3A_454 = arith.constant 16 : i32
      %parallel_loop3A_455 = arith.muli %parallel_loop3A_324, %parallel_loop3A_454 : i32
      %parallel_loop3A_456 = arith.constant 15 : i32
      %parallel_loop3A_457 = arith.index_cast %parallel_loop3A_456 : i32 to index
      %parallel_loop3A_458 = arith.index_cast %parallel_loop3A_455 : i32 to index
      %parallel_loop3A_459 = tpu.vector_load %arg8[%parallel_loop3A_457, %parallel_loop3A_458] {strides = array<i32>} : memref<20x512xf32, #tpu.memory_space<vmem>>, vector<16xf32>,
      tpu.vector_store %arg8[%parallel_loop3A_457, %parallel_loop3A_458], %parallel_loop3A_453 {strides = array<i32>} : memref<20x512xf32, #tpu.memory_space<vmem>>, vector<16xf32>,
      %parallel_loop3A_460 = arith.addi %parallel_loop3A_331, %broadcast_in_dim3A_302 : vector<16xi32>
      %parallel_loop3A_461 = tpu.vector_load_idx %arg7[%parallel_loop3A_460] : memref<192xf32, #tpu.memory_space<vmem>>[vector<16xi32>], vector<16xf32>,
      %parallel_loop3A_462 = arith.constant 16 : i32
      %parallel_loop3A_463 = arith.muli %parallel_loop3A_324, %parallel_loop3A_462 : i32
      %parallel_loop3A_464 = arith.constant 16 : i32
      %parallel_loop3A_465 = arith.index_cast %parallel_loop3A_464 : i32 to index
      %parallel_loop3A_466 = arith.index_cast %parallel_loop3A_463 : i32 to index
      %parallel_loop3A_467 = tpu.vector_load %arg8[%parallel_loop3A_465, %parallel_loop3A_466] {strides = array<i32>} : memref<20x512xf32, #tpu.memory_space<vmem>>, vector<16xf32>,
      tpu.vector_store %arg8[%parallel_loop3A_465, %parallel_loop3A_466], %parallel_loop3A_461 {strides = array<i32>} : memref<20x512xf32, #tpu.memory_space<vmem>>, vector<16xf32>,
      %parallel_loop3A_468 = arith.addi %parallel_loop3A_331, %broadcast_in_dim3A_304 : vector<16xi32>
      %parallel_loop3A_469 = tpu.vector_load_idx %arg7[%parallel_loop3A_468] : memref<192xf32, #tpu.memory_space<vmem>>[vector<16xi32>], vector<16xf32>,
      %parallel_loop3A_470 = arith.constant 16 : i32
      %parallel_loop3A_471 = arith.muli %parallel_loop3A_324, %parallel_loop3A_470 : i32
      %parallel_loop3A_472 = arith.constant 17 : i32
      %parallel_loop3A_473 = arith.index_cast %parallel_loop3A_472 : i32 to index
      %parallel_loop3A_474 = arith.index_cast %parallel_loop3A_471 : i32 to index
      %parallel_loop3A_475 = tpu.vector_load %arg8[%parallel_loop3A_473, %parallel_loop3A_474] {strides = array<i32>} : memref<20x512xf32, #tpu.memory_space<vmem>>, vector<16xf32>,
      tpu.vector_store %arg8[%parallel_loop3A_473, %parallel_loop3A_474], %parallel_loop3A_469 {strides = array<i32>} : memref<20x512xf32, #tpu.memory_space<vmem>>, vector<16xf32>,
      %parallel_loop3A_476 = arith.addi %parallel_loop3A_331, %broadcast_in_dim3A_306 : vector<16xi32>
      %parallel_loop3A_477 = tpu.vector_load_idx %arg7[%parallel_loop3A_476] : memref<192xf32, #tpu.memory_space<vmem>>[vector<16xi32>], vector<16xf32>,
      %parallel_loop3A_478 = arith.constant 16 : i32
      %parallel_loop3A_479 = arith.muli %parallel_loop3A_324, %parallel_loop3A_478 : i32
      %parallel_loop3A_480 = arith.constant 18 : i32
      %parallel_loop3A_481 = arith.index_cast %parallel_loop3A_480 : i32 to index
      %parallel_loop3A_482 = arith.index_cast %parallel_loop3A_479 : i32 to index
      %parallel_loop3A_483 = tpu.vector_load %arg8[%parallel_loop3A_481, %parallel_loop3A_482] {strides = array<i32>} : memref<20x512xf32, #tpu.memory_space<vmem>>, vector<16xf32>,
      tpu.vector_store %arg8[%parallel_loop3A_481, %parallel_loop3A_482], %parallel_loop3A_477 {strides = array<i32>} : memref<20x512xf32, #tpu.memory_space<vmem>>, vector<16xf32>,
      %parallel_loop3A_484 = arith.addi %parallel_loop3A_331, %broadcast_in_dim3A_308 : vector<16xi32>
      %parallel_loop3A_485 = tpu.vector_load_idx %arg7[%parallel_loop3A_484] : memref<192xf32, #tpu.memory_space<vmem>>[vector<16xi32>], vector<16xf32>,
      %parallel_loop3A_486 = arith.constant 16 : i32
      %parallel_loop3A_487 = arith.muli %parallel_loop3A_324, %parallel_loop3A_486 : i32
      %parallel_loop3A_488 = arith.constant 19 : i32
      %parallel_loop3A_489 = arith.index_cast %parallel_loop3A_488 : i32 to index
      %parallel_loop3A_490 = arith.index_cast %parallel_loop3A_487 : i32 to index
      %parallel_loop3A_491 = tpu.vector_load %arg8[%parallel_loop3A_489, %parallel_loop3A_490] {strides = array<i32>} : memref<20x512xf32, #tpu.memory_space<vmem>>, vector<16xf32>,
      tpu.vector_store %arg8[%parallel_loop3A_489, %parallel_loop3A_490], %parallel_loop3A_485 {strides = array<i32>} : memref<20x512xf32, #tpu.memory_space<vmem>>, vector<16xf32>,
    } {sc.loop_unroll_factor = 2 : i64, sc.parallel_access}
    %dma_start3A_316 = arith.constant 0 : i32
    %dma_start3A_317 = tpu.memref_slice %arg4[%dma_start3A_316, %mul3A_2] : memref<20x16384xf32, #tpu.memory_space<hbm>> -> memref<20x512xf32, #tpu.memory_space<hbm>>
    %dma_start3A_318 = arith.constant 0 : i32
    %dma_start3A_319 = tpu.memref_slice %arg4[%dma_start3A_318, %mul3A_2] : memref<20x16384xf32, #tpu.memory_space<hbm>> -> memref<20x512xf32, #tpu.memory_space<hbm>>
    tpu.enqueue_dma source(%arg8 : memref<20x512xf32, #tpu.memory_space<vmem>>) target(%dma_start3A_319 : memref<20x512xf32, #tpu.memory_space<hbm>>) target_semaphore(%arg9 : memref<!tpu.dma_semaphore, #tpu.memory_space<semaphore_mem>>)
    %dma_wait3A_320 = arith.constant 0 : i32
    %dma_wait3A_321 = tpu.memref_slice %arg4[%dma_wait3A_320, %mul3A_2] : memref<20x16384xf32, #tpu.memory_space<hbm>> -> memref<20x512xf32, #tpu.memory_space<hbm>>
    %dma_wait3A_322 = arith.constant 0 : i32
    %dma_wait3A_323 = tpu.memref_slice %arg4[%dma_wait3A_322, %mul3A_2] : memref<20x16384xf32, #tpu.memory_space<hbm>> -> memref<20x512xf32, #tpu.memory_space<hbm>>
    tpu.wait_dma2 semaphore(%arg9 : memref<!tpu.dma_semaphore, #tpu.memory_space<semaphore_mem>>) src(%arg8 : memref<20x512xf32, #tpu.memory_space<vmem>>) dst(%dma_wait3A_323 : memref<20x512xf32, #tpu.memory_space<hbm>>)
    return
  }
}

</mosaic_0001>

<sc_bundles>
// kernel: kernel.3.cloned.1.call-start
scs
__scs_entry_jumppad:
0x0: {  	(pc) =	sbr.rel $0x88, $3  }
0x1: {  	(tag) =	ssettag $0x0;
	lr =	simm.s32 $0x1  }
0x2: {  	[smem:$0x3F9F] =	sst lr;
	_ =	strace $0xD0000000  }
0x3: {  	_ = 	snop  }
0x4: {  	_ = 	snop  }
0x5: {  	_ = 	snop  }
0x6: {  	_ = 	snop  }
0x7: {  	_ = 	snop  }
__scs_overlays_trampoline_lowered:
0x8: {  	[smem:$0x3FAE] =	sst s0  }
0x9: {  	[smem:$0x3FAF] =	sst s1  }
0xa: {  	[smem:$0x3FB0] =	sst s2  }
0xb: {  	[smem:$0x3FB1] =	sst s3  }
0xc: {  	[smem:$0x3FB2] =	sst s4  }
0xd: {  	[smem:$0x3FB3] =	sst s5  }
0xe: {  	[smem:$0x3FB4] =	sst s6  }
0xf: {  	[smem:$0x3FB5] =	sst s7  }
0x10: {  	[smem:$0x3FB6] =	sst s8  }
0x11: {  	[smem:$0x3FB7] =	sst s9;
	s0 =	simm.s32 @!p0 $0x0  }
0x12: {  	s1 =	sld [smem:$0x3F9D];
	s0 =	simm.s32 @p0 $0x1  }
0x13: {  	[smem:$0x3FB8] =	sst s0;
	s0 =	simm.s32 @!p1 $0x0  }
0x14: {  	s2 =	sld [smem:$0x3F9C];
	s0 =	simm.s32 @p1 $0x1  }
0x15: {  	[smem:$0x3FB9] =	sst s0;
	s0 =	simm.s32 @!p2 $0x0  }
0x16: {  	s3 =	sld [smem:$0x3FDB];
	s0 =	simm.s32 @p2 $0x1  }
0x17: {  	s4 =	simm.s32 $0x1BF5;
	[smem:$0x3FBB] =	sst s0  }
0x18: {  	s0 =	sld [smem:$0x3F9E];
	_ =	swait.ge [sflag:s4], $0x0  }
0x19: {  	s7 =	sld [smem:$0x3F9F]  }
0x1a: {  	s8 =	sadd.s32 $0xFFFFE003, lr  }
0x1b: {  	s9 =	sadd.s32 $0xFFFFFEF7, lr;
	s5 =	simm.s32 $0xFFFFFFFF;
	p2 =	slt.u32 s8, $0xFFFFF086  }
0x1c: {  	p1 =	slt.u32 s9, $0xF7A;
	s5 =	simm.s32 @!p2 $0x0  }
0x1d: {  	s5 =	simm.s32 @p1 $0x1;
	p0 =	seq.s32 s7, s2  }
0x1e: {  	s7 =	smul.u32 @!p0 $0xF7A, s2;
	p2 =	seq.s32 @!p0 s5, $0x0  }
0x1f: {  	s9 =	smul.u32 $0xF7A, s1;
	s8 =	simm.s32 @!p0 $0x1BF5;
	p2 =	por !p2, p0  }
0x20: {  	[sflag:s8] =	ssyncset.s32 @!p0 $0xFFFFF086;
	s6 =	sadd.s32 @!p0 s3, s7;
	s7 =	simm.s32 @!p0 $0x108  }
0x21: {  	s3 =	sadd.s32 s3, s9;
	s6 =	sadd.s32 @!p0 $0x88, s6;
	s7 =	simm.s32 @p2 $0x1082  }
0x22: {  	[simem:s7], [sflag:s8] =	dma.local @!p0 [hbm:s6], $0xF7A  }
0x23: {  	s9 =	sor.u32 $0xD0000000, s2;
	s6 =	simm.s32 $0x108;
	_ =	swait.ge @!p0 [sflag:s8], $0x0  }
0x24: {  	s3 =	sadd.s32 $0x88, s3;
	s6 =	simm.s32 @!p1 $0x1082;
	[sflag:s4] =	ssyncset.s32 $0xFFFFF086  }
0x25: {  	[simem:s6], [sflag:s4] =	dma.local [hbm:s3], $0xF7A  }
0x26: {  	[smem:$0x3F9F] =	sst s1;
	(tag) =	ssettag s2;
	_ =	strace s9  }
0x27: {  	s1 =	sld [smem:$0x3FAF]  }
0x28: {  	s2 =	sld [smem:$0x3FB0]  }
0x29: {  	s4 =	sld [smem:$0x3FB2]  }
0x2a: {  	p0 =	seq.s32 s5, $0x0;
	s5 =	sld [smem:$0x3FB3]  }
0x2b: {  	s6 =	sld [smem:$0x3FB4]  }
0x2c: {  	s7 =	sld [smem:$0x3FB5]  }
0x2d: {  	s3 =	simm.s32 $0x108;
	s8 =	sld [smem:$0x3FB6]  }
0x2e: {  	s3 =	simm.s32 @!p0 $0x1082;
	s9 =	sld [smem:$0x3FB7]  }
0x2f: {  	lr =	sadd.s32 s0, s3;
	s0 =	sld [smem:$0x3FAE]  }
0x30: {  	s3 =	sld [smem:$0x3FB1]  }
0x31: {  	[smem:$0x3FBA] =	sst s10  }
0x32: {  	s10 =	sld [smem:$0x3FB8];
	_ =	sdelay $0x3  }
0x33: {  	p0 =	seq.s32 s10, $0x1;
	s10 =	sld [smem:$0x3FBA];
	_ =	sdelay $0x3  }
0x34: {  	[smem:$0x3FBA] =	sst s10  }
0x35: {  	s10 =	sld [smem:$0x3FB9];
	_ =	sdelay $0x3  }
0x36: {  	p1 =	seq.s32 s10, $0x1;
	s10 =	sld [smem:$0x3FBA];
	_ =	sdelay $0x3  }
0x37: {  	[smem:$0x3FBA] =	sst s10  }
0x38: {  	s10 =	sld [smem:$0x3FBB]  }
0x39: {  	_ = 	snop;
	(pc) =	sbr.ind lr, $3  }
0x3a: {  	_ = 	snop  }
0x3b: {  	_ = 	snop  }
0x3c: {  	p2 =	seq.s32 s10, $0x1;
	s10 =	sld [smem:$0x3FBA]  }
0x3d: {  	_ =	shalt  }
0x3e: {  	_ =	shalt  }
0x3f: {  	_ =	shalt  }
0x40: {  	_ =	shalt  }
0x41: {  	_ =	shalt  }
0x42: {  	_ =	shalt  }
0x43: {  	_ =	shalt  }
0x44: {  	_ =	shalt  }
0x45: {  	_ =	shalt  }
0x46: {  	_ =	shalt  }
0x47: {  	_ =	shalt  }
0x48: {  	_ =	shalt  }
0x49: {  	_ =	shalt  }
0x4a: {  	_ =	shalt  }
0x4b: {  	_ =	shalt  }
0x4c: {  	_ =	shalt  }
0x4d: {  	_ =	shalt  }
0x4e: {  	_ =	shalt  }
0x4f: {  	_ =	shalt  }
0x50: {  	_ =	shalt  }
0x51: {  	_ =	shalt  }
0x52: {  	_ =	shalt  }
0x53: {  	_ =	shalt  }
0x54: {  	_ =	shalt  }
0x55: {  	_ =	shalt  }
0x56: {  	_ =	shalt  }
0x57: {  	_ =	shalt  }
0x58: {  	_ =	shalt  }
0x59: {  	_ =	shalt  }
0x5a: {  	_ =	shalt  }
0x5b: {  	_ =	shalt  }
0x5c: {  	_ =	shalt  }
0x5d: {  	_ =	shalt  }
0x5e: {  	_ =	shalt  }
0x5f: {  	_ =	shalt  }
0x60: {  	_ =	shalt  }
0x61: {  	_ =	shalt  }
0x62: {  	_ =	shalt  }
0x63: {  	_ =	shalt  }
0x64: {  	_ =	shalt  }
0x65: {  	_ =	shalt  }
0x66: {  	_ =	shalt  }
0x67: {  	_ =	shalt  }
0x68: {  	_ =	shalt  }
0x69: {  	_ =	shalt  }
0x6a: {  	_ =	shalt  }
0x6b: {  	_ =	shalt  }
0x6c: {  	_ =	shalt  }
0x6d: {  	_ =	shalt  }
0x6e: {  	_ =	shalt  }
0x6f: {  	_ =	shalt  }
0x70: {  	_ =	shalt  }
0x71: {  	_ =	shalt  }
0x72: {  	_ =	shalt  }
0x73: {  	_ =	shalt  }
0x74: {  	_ =	shalt  }
0x75: {  	_ =	shalt  }
0x76: {  	_ =	shalt  }
0x77: {  	_ =	shalt  }
0x78: {  	_ =	shalt  }
0x79: {  	_ =	shalt  }
0x7a: {  	_ =	shalt  }
0x7b: {  	_ =	shalt  }
0x7c: {  	_ =	shalt  }
0x7d: {  	_ =	shalt  }
0x7e: {  	_ =	shalt  }
0x7f: {  	_ =	shalt  }
0x80: {  	_ =	shalt  }
0x81: {  	_ =	shalt  }
0x82: {  	_ =	shalt  }
0x83: {  	_ =	shalt  }
0x84: {  	_ =	shalt  }
0x85: {  	_ =	shalt  }
0x86: {  	_ =	shalt  }
0x87: {  	_ =	shalt  }
.Lfunc_end0:
.L_simem_size_0:
called_computation_lowered:
.L_overlay_start_0:
0x88: {  	s2 =	sld [smem:$0x3FD9]  }
0x89: {  	s3 =	sld [smem:$0x3FFE];
	_ =	sdelay $0x1  }
0x8a: {  	s1 =	srdreg.scid  }
0x8b: {  	s0 =	sand.u32 $0x1, s1  }
0x8c: {  	s17 =	sshll.u32 s0, $0xA;
	s2 =	sadd.s32 s3, s2  }
0x8d: {  	s2 =	sadd.s32 s2, s17  }
0x8e: {  	[smem:$0x3FC6] =	sst s2  }
0x8f: {  	_ = 	snop  }
0x90: {  	s2 =	sld [smem:$0x3FC9]  }
0x91: {  	s18 =	sld [smem:$0x3FD0];
	(tm) =	ssettm $0x1  }
0x92: {  	s4 =	sld [smem:$0x3FFB];
	_ =	sdelay $0x3  }
0x93: {  	_ =	strace s4  }
0x94: {  	s4 =	sld [smem:$0x3FFC];
	_ =	sdelay $0x3  }
0x95: {  	_ =	strace s4  }
0x96: {  	s4 =	sld [smem:$0x3FFD];
	_ =	sdelay $0x3  }
0x97: {  	_ =	strace s4  }
0x98: {  	_ =	strace $0x8FFFFFFF  }
0x99: {  	s19 =	sld [smem:$0x3FDB];
	_ =	sdelay $0x1  }
0x9a: {  	s5 =	simm.s32 $_scs_section_size  }
0x9b: {  	s6 =	simm.s32 $_size__tile_overlayer_lowered;
	s7 =	simm.s32 $_tile_overlayer_lowered  }
0x9c: {  	s22 =	simm.s32 $0x1BFF;
	s21 =	sshll.u32 s7, $0x1;
	s4 =	sadd.s32 s5, s19  }
0x9d: {  	s8 =	simm.s32 $0x0;
	s20 =	sshll.u32 s6, $0x1;
	s6 =	sadd.s32 s21, s4  }
0x9e: {  	[timem:s8], [sflag:s22] =	dma.local [hbm:s6], s20  }
0x9f: {  	_ =	swait.ge [sflag:s22], s20  }
0xa0: {  	s5 =	ssub.s32 $0x0, s20;
	[sflag:s22] =	ssyncset.done $0x0  }
0xa1: {  	[sflag:s22] =	ssyncadd.s32 s5;
	_ =	sdelay $0x1  }
0xa2: {  	s23 =	simm.s32 $0x1B8B  }
0xa3: {  	_ =	swait.ge [sflag:s23], $0x1  }
0xa4: {  	[sflag:s23] =	ssyncset.done $0x0  }
0xa5: {  	s25 =	simm.s32 $0x1B8E;
	s24 =	sld [smem:$0x3FFE];
	[sflag:s23] =	ssyncadd.s32 $0xFFFFFFFF  }
0xa6: {  	s26 =	simm.s32 $execute0_lowered;
	[smem:$0x3FD2] =	sst s25  }
0xa7: {  	s6 =	sshll.u32 s26, $0x1;
	_ =	strace $0x80000046;
	[dreg:$0x1] =	wrdreg $0xFFFFFFFF  }
0xa8: {  	s28 =	simm.s32 $_size_execute0_lowered;
	s4 =	sadd.s32 s4, s6;
	[dreg:$0x0] =	wrdreg $0x0  }
0xa9: {  	s6 =	sshll.u32 s28, $0x1;
	[dreg:$0x2] =	wrdreg s4  }
0xaa: {  	[dreg:$0x3] =	wrdreg s6  }
0xab: {  	[dreg:$0x4] =	wrdreg $0xC0  }
0xac: {  	_ =	task [dreg:s8], $0x5FFFF  }
0xad: {  	[dreg:$0x1] =	wrdreg $0xFFFFFFFF  }
0xae: {  	[dreg:$0x0] =	wrdreg $0x60  }
0xaf: {  	[dreg:$0x2] =	wrdreg s2  }
0xb0: {  	[dreg:$0x3] =	wrdreg s18  }
0xb1: {  	[dreg:$0x4] =	wrdreg s24  }
0xb2: {  	[dreg:$0x5] =	wrdreg $0x9  }
0xb3: {  	_ =	task.clear_ibuf [dreg:s8], $0x6FFFF;
	_ =	strace $0x90000046  }
0xb4: {  	s29 =	simm.s32 $0x9;
	_ =	strace $0x80000048  }
0xb5: {  	_ =	swait.ge [sflag:s29], $0x1  }
0xb6: {  	[sflag:s29] =	ssyncadd.s32 $0xFFFFFFFF  }
0xb7: {  	_ =	strace $0x90000048  }
0xb8: {  	_ =	sfence  }
0xb9: {  	s30 =	sld [smem:$0x0];
	_ =	sdelay $0x2  }
0xba: {  	s31 =	sshll.u32 s1, $0xD;
	s1 =	sshrl.u32 s1, $0x2  }
0xbb: {  	s3 =	sand.u32 $0x4000, s31;
	s1 =	sadd.s32 s1, s30  }
0xbc: {  	s0 =	sor.u32 s3, s0;
	s1 =	sshll.u32 s1, $0x11  }
0xbd: {  	s0 =	sor.u32 s1, s0  }
0xbe: {  	s0 =	sadd.s32 $0x8F2B, s0  }
0xbf: {  	[sflag:s0] =	ssyncadd.remote.s32 $0x1  }
0xc0: {  	_ =	sfence.sel $0xFFFF  }
0xc1: {  	[dreg:$0x0] =	wrdreg $0xFFFFFFFF;
	(pc) =	sbr.abs _section_cstart, $3  }
0xc2: {  	[dreg:$0x1] =	wrdreg $0xFFFFFFFF  }
0xc3: {  	_ =	task.clear_ibuf [dreg:s8], $0x2FFFF;
	_ =	strace $0x9FFFFFFF  }
0xc4: {  	(tm) =	ssettm $0x7FFFFFFF  }
0xc5: {  	_ =	shalt  }
tec
execute0_lowered:
.L_overlay_start_1:
0x0: {  	(tag) =	ssettag $0x1  }
0x1: {  	s4 =	rddreg [dreg:$0x0]  }
0x2: {  	s1 =	rddreg [dreg:$0x1]  }
0x3: {  	s5 =	rddreg [dreg:$0x2]  }
0x4: {  	s0 =	rddreg [dreg:$0x3];
	s6 =	srdreg.scid  }
0x5: {  	s3 =	simm.s32 $0x0;
	s2 =	stileid.u32;
	s9 =	simm.s32 $0x200  }
0x6: {  	s10 =	simm.s32 $0x4000;
	s11 =	simm.s32 $0x340;
	s12 =	simm.s32 $0x0  }
0x7: {  	v0 =	vimm.s32 $0x3C281400;
	s6 =	sand.u32 $0x1, s6;
	s7 =	sshll.u32 s2, $0x7;
	[smem:$0x7FF] =	sst s3  }
0x8: {  	v0 =	vunpack.c.0.s8.s32 v0;
	s8 =	sshll.u32 s6, $0x6;
	s6 =	ssub.s32 $0x2, s6;
	_ =	strace $0x80000047  }
0x9: {  	vm0 =	vcmask $0xF00;
	s7 =	sor.u32 s8, s7;
	s31 =	sshrl.u32 s6, $0x1;
	s8 =	simm.s32 $0x1  }
0xa: {  	vm15 =	vcmask $0x1F10;
	v1 =	vimm.s32 $0x78;
	v0 =	vnsel vm0, $0x64, v0;
	s5 =	sadd.s32 s7, s5;
	s6 =	ssub.s32 s6, s31;
	s4 =	sadd.s32 s4, s7  }
0xb: {  	v2 =	vimm.s32 $0x8C;
	v3 =	vimm.s32 $0xA0;
	s7 =	simm.s32 $0x280;
	v0 =	vsel vm15, $0x50, v0;
	s5 =	sadd.s32 $0x400, s5;
	s6 =	smax.u32 s6, $0x1  }
.LBB2_1:
0xc: {  	[tilespmem:s3], [sflag:$0x1] =	stream.linear.gather [hbm4b:s4+s3], $0x200, $0x38;
	[tilespmem:$0x2B40] =	vst v63  }
0xd: {  	_ = 	snop  }
0xe: {  	[tilespmem:s7], [sflag:$0x1] =	stream.linear.gather [hbm4b:s1+s3], $0xB4, $0x38;
	[tilespmem:$0x2B40] =	vst v63  }
0xf: {  	[tilespmem:$0x200] =	vst v0  }
0x10: {  	[tilespmem:$0x210] =	vst v1  }
0x11: {  	[tilespmem:$0x220] =	vst v2  }
0x12: {  	[tilespmem:$0x230] =	vst v2  }
0x13: {  	[tilespmem:$0x240] =	vst v3  }
0x14: {  	[tilespmem:$0x250] =	vst v3  }
0x15: {  	[tilespmem:$0x260] =	vst v3  }
0x16: {  	[tilespmem:$0x270] =	vst v3  }
0x17: {  	_ =	swait.ge [sflag:s8], $0x200  }
0x18: {  	[sflag:s8] =	ssyncset.done $0x0  }
0x19: {  	[sflag:s8] =	ssyncadd.s32 $0xFFFFFE00  }
0x1a: {  	_ =	swait.ge [sflag:s8], $0xB4  }
0x1b: {  	[sflag:s8] =	ssyncset.done $0x0  }
0x1c: {  	s13 =	simm.s32 $0x10;
	[sflag:s8] =	ssyncadd.s32 $0xFFFFFF4C  }
0x1d: {  	v4 =	vld [tilespmem:s13+$0x0];
	_ =	sdelay $0x4  }
0x1e: {  	vm0 =	vgt.s32 v4, $0x0  }
0x1f: {  	v4 =	vnsel vm0, $0x0, v4  }
0x20: {  	v4 =	vmin.u32 v4, $0x7F;
	_ =	sdelay $0x2  }
0x21: {  	v5 =	vld [tilespmem:s13+$0xFFFFFFF0];
	_ =	sdelay $0x1  }
0x22: {  	v8 =	vld.idx.msk [tilespmem:v4+s9+$0x0], $0xffff;
	_ =	sdelay $0x2  }
0x23: {  	vm10 =	vgt.s32 v5, $0x0  }
0x24: {  	v4 =	vnsel vm10, $0x0, v5  }
0x25: {  	v4 =	vmin.u32 v4, $0x7F;
	_ =	sdelay $0x2  }
0x26: {  	v5 =	vld.idx.msk [tilespmem:v8+s7+$0x0], $0xffff  }
0x27: {  	v6 =	vadd.s32 $0x1, v8  }
0x28: {  	v7 =	vld.idx.msk [tilespmem:v4+s9+$0x0], $0xffff;
	_ =	sdelay $0x1  }
0x29: {  	s13 =	simm.s32 $0x1740  }
0x2a: {  	[tilespmem:s13+$0xFFFFEC10] =	vst v5  }
0x2b: {  	v4 =	vld.idx.msk [tilespmem:v6+s7+$0x0], $0xffff  }
0x2c: {  	v5 =	vadd.s32 $0x2, v8;
	_ =	sdelay $0x2  }
0x2d: {  	v6 =	vld.idx.msk [tilespmem:v7+s7+$0x0], $0xffff  }
0x2e: {  	v9 =	vadd.s32 $0x1, v7;
	[tilespmem:s13+$0xFFFFEE10] =	vst v4  }
0x2f: {  	v4 =	vld.idx.msk [tilespmem:v5+s7+$0x0], $0xffff  }
0x30: {  	v5 =	vadd.s32 $0x3, v8;
	_ =	sdelay $0x1  }
0x31: {  	[tilespmem:s13+$0xFFFFEC00] =	vst v6  }
0x32: {  	v6 =	vld.idx.msk [tilespmem:v9+s7+$0x0], $0xffff  }
0x33: {  	v9 =	vadd.s32 $0x2, v7;
	[tilespmem:s13+$0xFFFFF010] =	vst v4  }
0x34: {  	s14 =	simm.s32 $0x30;
	v4 =	vld.idx.msk [tilespmem:v5+s7+$0x0], $0xffff  }
0x35: {  	v10 =	vadd.s32 $0x4, v8;
	v5 =	vld [tilespmem:s14+$0x0];
	_ =	sdelay $0x1  }
0x36: {  	[tilespmem:s13+$0xFFFFEE00] =	vst v6  }
0x37: {  	v6 =	vld.idx.msk [tilespmem:v9+s7+$0x0], $0xffff  }
0x38: {  	v9 =	vld [tilespmem:s14+$0xFFFFFFF0];
	[tilespmem:s13+$0xFFFFF210] =	vst v4  }
0x39: {  	v4 =	vadd.s32 $0x3, v7;
	vm11 =	vgt.s32 v5, $0x0;
	v10 =	vld.idx.msk [tilespmem:v10+s7+$0x0], $0xffff  }
0x3a: {  	v11 =	vadd.s32 $0x5, v8;
	v5 =	vnsel vm11, $0x0, v5  }
0x3b: {  	v5 =	vmin.u32 v5, $0x7F;
	_ =	sdelay $0x1  }
0x3c: {  	[tilespmem:s13+$0xFFFFF000] =	vst v6  }
0x3d: {  	vm12 =	vgt.s32 v9, $0x0;
	v6 =	vld.idx.msk [tilespmem:v4+s7+$0x0], $0xffff;
	[tilespmem:s13+$0xFFFFF410] =	vst v10  }
0x3e: {  	v4 =	vnsel vm12, $0x0, v9;
	v10 =	vadd.s32 $0x4, v7;
	v9 =	vld.idx.msk [tilespmem:v11+s7+$0x0], $0xffff  }
0x3f: {  	v11 =	vmin.u32 v4, $0x7F;
	v4 =	vld.idx.msk [tilespmem:v5+s9+$0x0], $0xffff  }
0x40: {  	v5 =	vadd.s32 $0x6, v8;
	_ =	sdelay $0x1  }
0x41: {  	[tilespmem:s13+$0xFFFFF200] =	vst v6  }
0x42: {  	v6 =	vld.idx.msk [tilespmem:v10+s7+$0x0], $0xffff  }
0x43: {  	v10 =	vld.idx.msk [tilespmem:v11+s9+$0x0], $0xffff;
	[tilespmem:s13+$0xFFFFF610] =	vst v9  }
0x44: {  	v9 =	vadd.s32 $0x5, v7;
	v5 =	vld.idx.msk [tilespmem:v5+s7+$0x0], $0xffff  }
0x45: {  	v11 =	vadd.s32 $0x7, v8  }
0x46: {  	v12 =	vld.idx.msk [tilespmem:v4+s7+$0x0], $0xffff  }
0x47: {  	v13 =	vadd.s32 $0x1, v4  }
0x48: {  	[tilespmem:s13+$0xFFFFF400] =	vst v6  }
0x49: {  	v6 =	vld.idx.msk [tilespmem:v9+s7+$0x0], $0xffff;
	[tilespmem:s13+$0xFFFFF810] =	vst v5  }
0x4a: {  	s14 =	simm.s32 $0x1760;
	v5 =	vadd.s32 $0x6, v7;
	v9 =	vld.idx.msk [tilespmem:v11+s7+$0x0], $0xffff  }
0x4b: {  	v11 =	vld.idx.msk [tilespmem:v10+s7+$0x0], $0xffff;
	[tilespmem:s14+$0xFFFFEC10] =	vst v12;
	v12 =	vadd.s32 $0x8, v8  }
0x4c: {  	v14 =	vadd.s32 $0x1, v10;
	v13 =	vld.idx.msk [tilespmem:v13+s7+$0x0], $0xffff  }
0x4d: {  	v15 =	vadd.s32 $0x2, v4  }
0x4e: {  	[tilespmem:s13+$0xFFFFF600] =	vst v6  }
0x4f: {  	v5 =	vld.idx.msk [tilespmem:v5+s7+$0x0], $0xffff;
	[tilespmem:s13+$0xFFFFFA10] =	vst v9  }
0x50: {  	v6 =	vadd.s32 $0x7, v7;
	[tilespmem:s14+$0xFFFFEC00] =	vst v11;
	v9 =	vld.idx.msk [tilespmem:v12+s7+$0x0], $0xffff  }
0x51: {  	v12 =	vadd.s32 $0x9, v8;
	v11 =	vld.idx.msk [tilespmem:v14+s7+$0x0], $0xffff;
	[tilespmem:s14+$0xFFFFEE10] =	vst v13  }
0x52: {  	v13 =	vadd.s32 $0x2, v10;
	v14 =	vld.idx.msk [tilespmem:v15+s7+$0x0], $0xffff  }
0x53: {  	v15 =	vadd.s32 $0x3, v4  }
0x54: {  	[tilespmem:s13+$0xFFFFF800] =	vst v5  }
0x55: {  	v5 =	vld.idx.msk [tilespmem:v6+s7+$0x0], $0xffff;
	[tilespmem:s13+$0xFFFFFC10] =	vst v9  }
0x56: {  	v6 =	vadd.s32 $0x8, v7;
	[tilespmem:s14+$0xFFFFEE00] =	vst v11;
	v9 =	vld.idx.msk [tilespmem:v12+s7+$0x0], $0xffff  }
0x57: {  	v12 =	vadd.s32 $0xA, v8;
	v11 =	vld.idx.msk [tilespmem:v13+s7+$0x0], $0xffff;
	[tilespmem:s14+$0xFFFFF010] =	vst v14  }
0x58: {  	s15 =	simm.s32 $0x50;
	v13 =	vadd.s32 $0x3, v10;
	v14 =	vld.idx.msk [tilespmem:v15+s7+$0x0], $0xffff  }
0x59: {  	v16 =	vadd.s32 $0x4, v4;
	v15 =	vld [tilespmem:s15+$0x0]  }
0x5a: {  	[tilespmem:s13+$0xFFFFFA00] =	vst v5;
	v5 =	vld [tilespmem:s15+$0xFFFFFFF0]  }
0x5b: {  	v6 =	vld.idx.msk [tilespmem:v6+s7+$0x0], $0xffff;
	[tilespmem:s13+$0xFFFFFE10] =	vst v9  }
0x5c: {  	v9 =	vadd.s32 $0x9, v7;
	[tilespmem:s14+$0xFFFFF000] =	vst v11;
	v11 =	vld.idx.msk [tilespmem:v12+s7+$0x0], $0xffff  }
0x5d: {  	v12 =	vld.idx.msk [tilespmem:v13+s7+$0x0], $0xffff;
	[tilespmem:s14+$0xFFFFF210] =	vst v14;
	v13 =	vadd.s32 $0xB, v8  }
0x5e: {  	v14 =	vadd.s32 $0x4, v10;
	vm13 =	vgt.s32 v15, $0x0;
	v16 =	vld.idx.msk [tilespmem:v16+s7+$0x0], $0xffff  }
0x5f: {  	v17 =	vadd.s32 $0x5, v4;
	vm1 =	vgt.s32 v5, $0x0;
	v15 =	vnsel vm13, $0x0, v15  }
0x60: {  	[tilespmem:s13+$0xFFFFFC00] =	vst v6;
	v5 =	vnsel vm1, $0x0, v5;
	v6 =	vmin.u32 v15, $0x7F  }
0x61: {  	v9 =	vld.idx.msk [tilespmem:v9+s7+$0x0], $0xffff;
	v15 =	vmin.u32 v5, $0x7F;
	[tilespmem:s13+$0x10] =	vst v11  }
0x62: {  	[tilespmem:s14+$0xFFFFF200] =	vst v12;
	v11 =	vld.idx.msk [tilespmem:v13+s7+$0x0], $0xffff  }
0x63: {  	v12 =	vld.idx.msk [tilespmem:v14+s7+$0x0], $0xffff;
	[tilespmem:s14+$0xFFFFF410] =	vst v16  }
0x64: {  	v14 =	vadd.s32 $0xC, v8;
	v13 =	vld.idx.msk [tilespmem:v17+s7+$0x0], $0xffff  }
0x65: {  	v17 =	vadd.s32 $0x5, v10;
	v5 =	vld.idx.msk [tilespmem:v6+s9+$0x0], $0xffff  }
0x66: {  	v6 =	vadd.s32 $0x6, v4;
	v16 =	vld.idx.msk [tilespmem:v15+s9+$0x0], $0xffff  }
0x67: {  	v15 =	vadd.s32 $0xA, v7  }
0x68: {  	[tilespmem:s13+$0x210] =	vst v11  }
0x69: {  	[tilespmem:s14+$0xFFFFF400] =	vst v12;
	v11 =	vld.idx.msk [tilespmem:v14+s7+$0x0], $0xffff  }
0x6a: {  	v12 =	vld.idx.msk [tilespmem:v17+s7+$0x0], $0xffff;
	[tilespmem:s14+$0xFFFFF610] =	vst v13;
	v13 =	vadd.s32 $0xD, v8  }
0x6b: {  	[tilespmem:s13+$0xFFFFFE00] =	vst v9;
	v14 =	vadd.s32 $0x6, v10;
	v6 =	vld.idx.msk [tilespmem:v6+s7+$0x0], $0xffff  }
0x6c: {  	v9 =	vld.idx.msk [tilespmem:v15+s7+$0x0], $0xffff;
	v15 =	vadd.s32 $0x7, v4  }
0x6d: {  	v17 =	vadd.s32 $0xB, v7;
	v18 =	vld.idx.msk [tilespmem:v5+s7+$0x0], $0xffff  }
0x6e: {  	v20 =	vadd.s32 $0x1, v5;
	v19 =	vld.idx.msk [tilespmem:v16+s7+$0x0], $0xffff;
	[tilespmem:s13+$0x410] =	vst v11  }
0x6f: {  	v11 =	vadd.s32 $0x1, v16;
	[tilespmem:s14+$0xFFFFF600] =	vst v12;
	v12 =	vld.idx.msk [tilespmem:v13+s7+$0x0], $0xffff  }
0x70: {  	v13 =	vld.idx.msk [tilespmem:v14+s7+$0x0], $0xffff;
	[tilespmem:s14+$0xFFFFF810] =	vst v6;
	v6 =	vadd.s32 $0xE, v8  }
0x71: {  	s15 =	simm.s32 $0x1780;
	v14 =	vadd.s32 $0x7, v10;
	[tilespmem:s13+$0x0] =	vst v9;
	v9 =	vld.idx.msk [tilespmem:v15+s7+$0x0], $0xffff  }
0x72: {  	v15 =	vld.idx.msk [tilespmem:v17+s7+$0x0], $0xffff;
	v17 =	vadd.s32 $0x8, v4;
	[tilespmem:s15+$0xFFFFEC10] =	vst v18  }
0x73: {  	v18 =	vadd.s32 $0xC, v7;
	v20 =	vld.idx.msk [tilespmem:v20+s7+$0x0], $0xffff;
	[tilespmem:s15+$0xFFFFEC00] =	vst v19  }
0x74: {  	v19 =	vadd.s32 $0x2, v5;
	v11 =	vld.idx.msk [tilespmem:v11+s7+$0x0], $0xffff;
	[tilespmem:s13+$0x610] =	vst v12  }
0x75: {  	v12 =	vadd.s32 $0x2, v16;
	[tilespmem:s14+$0xFFFFF800] =	vst v13;
	v6 =	vld.idx.msk [tilespmem:v6+s7+$0x0], $0xffff  }
0x76: {  	v13 =	vld.idx.msk [tilespmem:v14+s7+$0x0], $0xffff;
	[tilespmem:s14+$0xFFFFFA10] =	vst v9;
	v9 =	vadd.s32 $0xF, v8  }
0x77: {  	v14 =	vadd.s32 $0x8, v10;
	[tilespmem:s13+$0x200] =	vst v15;
	v17 =	vld.idx.msk [tilespmem:v17+s7+$0x0], $0xffff  }
0x78: {  	v15 =	vld.idx.msk [tilespmem:v18+s7+$0x0], $0xffff;
	v18 =	vadd.s32 $0x9, v4;
	[tilespmem:s15+$0xFFFFEE10] =	vst v20  }
0x79: {  	v20 =	vadd.s32 $0xD, v7;
	v19 =	vld.idx.msk [tilespmem:v19+s7+$0x0], $0xffff;
	[tilespmem:s15+$0xFFFFEE00] =	vst v11  }
0x7a: {  	v11 =	vld.idx.msk [tilespmem:v12+s7+$0x0], $0xffff;
	v12 =	vadd.s32 $0x3, v5;
	[tilespmem:s13+$0x810] =	vst v6  }
0x7b: {  	[tilespmem:s14+$0xFFFFFA00] =	vst v13;
	v6 =	vld.idx.msk [tilespmem:v9+s7+$0x0], $0xffff  }
0x7c: {  	v9 =	vld.idx.msk [tilespmem:v14+s7+$0x0], $0xffff;
	[tilespmem:s14+$0xFFFFFC10] =	vst v17  }
0x7d: {  	[tilespmem:s13+$0x400] =	vst v15;
	v14 =	vadd.s32 $0x10, v8;
	v13 =	vld.idx.msk [tilespmem:v18+s7+$0x0], $0xffff  }
0x7e: {  	v17 =	vadd.s32 $0xA, v4;
	v15 =	vld.idx.msk [tilespmem:v20+s7+$0x0], $0xffff;
	[tilespmem:s15+$0xFFFFF010] =	vst v19  }
0x7f: {  	s16 =	simm.s32 $0x70;
	v18 =	vadd.s32 $0x3, v16;
	v12 =	vld.idx.msk [tilespmem:v12+s7+$0x0], $0xffff  }
0x80: {  	v20 =	vadd.s32 $0x4, v5;
	v19 =	vld [tilespmem:s16+$0x0]  }
0x81: {  	v21 =	vadd.s32 $0x9, v10;
	[tilespmem:s13+$0xA10] =	vst v6;
	v6 =	vld [tilespmem:s16+$0xFFFFFFF0]  }
0x82: {  	v22 =	vadd.s32 $0xE, v7;
	v14 =	vld.idx.msk [tilespmem:v14+s7+$0x0], $0xffff;
	[tilespmem:s14+$0xFFFFFE10] =	vst v13  }
0x83: {  	[tilespmem:s15+$0xFFFFF000] =	vst v11;
	v13 =	vadd.s32 $0x11, v8;
	v11 =	vld.idx.msk [tilespmem:v17+s7+$0x0], $0xffff  }
0x84: {  	v17 =	vld.idx.msk [tilespmem:v18+s7+$0x0], $0xffff;
	[tilespmem:s15+$0xFFFFF210] =	vst v12;
	v12 =	vadd.s32 $0xB, v4  }
0x85: {  	[tilespmem:s14+$0xFFFFFC00] =	vst v9;
	v18 =	vadd.s32 $0x4, v16;
	vm14 =	vgt.s32 v19, $0x0;
	v9 =	vld.idx.msk [tilespmem:v20+s7+$0x0], $0xffff  }
0x86: {  	[tilespmem:s13+$0x600] =	vst v15;
	v15 =	vld.idx.msk [tilespmem:v21+s7+$0x0], $0xffff;
	v19 =	vnsel vm14, $0x0, v19;
	vm15 =	vgt.s32 v6, $0x0;
	v20 =	vadd.s32 $0x5, v5  }
0x87: {  	v21 =	vld.idx.msk [tilespmem:v22+s7+$0x0], $0xffff;
	[tilespmem:s13+$0xC10] =	vst v14;
	v6 =	vnsel vm15, $0x0, v6;
	v14 =	vmin.u32 v19, $0x7F  }
0x88: {  	v13 =	vld.idx.msk [tilespmem:v13+s7+$0x0], $0xffff;
	v19 =	vmin.u32 v6, $0x7F;
	[tilespmem:s14+$0x10] =	vst v11  }
0x89: {  	[tilespmem:s15+$0xFFFFF200] =	vst v17;
	v17 =	vadd.s32 $0xA, v10;
	v11 =	vld.idx.msk [tilespmem:v12+s7+$0x0], $0xffff  }
0x8a: {  	v12 =	vadd.s32 $0x12, v8;
	v18 =	vld.idx.msk [tilespmem:v18+s7+$0x0], $0xffff;
	[tilespmem:s15+$0xFFFFF410] =	vst v9  }
0x8b: {  	v22 =	vadd.s32 $0x5, v16;
	v9 =	vld.idx.msk [tilespmem:v20+s7+$0x0], $0xffff  }
0x8c: {  	v20 =	vadd.s32 $0xC, v4;
	v6 =	vld.idx.msk [tilespmem:v14+s9+$0x0], $0xffff  }
0x8d: {  	[tilespmem:s14+$0xFFFFFE00] =	vst v15;
	v14 =	vadd.s32 $0x6, v5;
	v31 =	vld.idx.msk [tilespmem:v19+s9+$0x0], $0xffff  }
0x8e: {  	[tilespmem:s13+$0xE10] =	vst v13;
	v13 =	vadd.s32 $0xF, v7;
	v15 =	vld.idx.msk [tilespmem:v17+s7+$0x0], $0xffff  }
0x8f: {  	v12 =	vld.idx.msk [tilespmem:v12+s7+$0x0], $0xffff;
	[tilespmem:s15+$0xFFFFF400] =	vst v18  }
0x90: {  	v8 =	vadd.s32 $0x13, v8;
	[tilespmem:s14+$0x210] =	vst v11;
	v17 =	vld.idx.msk [tilespmem:v22+s7+$0x0], $0xffff  }
0x91: {  	v11 =	vld.idx.msk [tilespmem:v20+s7+$0x0], $0xffff;
	[tilespmem:s15+$0xFFFFF610] =	vst v9  }
0x92: {  	[tilespmem:s13+$0x800] =	vst v21;
	v18 =	vadd.s32 $0x6, v16;
	v9 =	vld.idx.msk [tilespmem:v14+s7+$0x0], $0xffff  }
0x93: {  	v14 =	vadd.s32 $0xD, v4;
	v13 =	vld.idx.msk [tilespmem:v13+s7+$0x0], $0xffff;
	[tilespmem:s14+$0x0] =	vst v15  }
0x94: {  	v20 =	vadd.s32 $0x7, v5;
	v19 =	vld.idx.msk [tilespmem:v6+s7+$0x0], $0xffff;
	[tilespmem:s13+$0x1010] =	vst v12  }
0x95: {  	v12 =	vadd.s32 $0xB, v10;
	v8 =	vld.idx.msk [tilespmem:v8+s7+$0x0], $0xffff;
	[tilespmem:s15+$0xFFFFF600] =	vst v17  }
0x96: {  	v21 =	vadd.s32 $0x1, v6;
	v15 =	vld.idx.msk [tilespmem:v31+s7+$0x0], $0xffff;
	[tilespmem:s14+$0x410] =	vst v11  }
0x97: {  	v11 =	vadd.s32 $0x10, v7;
	v22 =	vld.idx.msk [tilespmem:v18+s7+$0x0], $0xffff;
	[tilespmem:s15+$0xFFFFF810] =	vst v9  }
0x98: {  	s16 =	simm.s32 $0x17A0;
	v17 =	vadd.s32 $0x1, v31;
	v14 =	vld.idx.msk [tilespmem:v14+s7+$0x0], $0xffff;
	[tilespmem:s13+$0xA00] =	vst v13  }
0x99: {  	v24 =	vadd.s32 $0x7, v16;
	v20 =	vld.idx.msk [tilespmem:v20+s7+$0x0], $0xffff;
	[tilespmem:s16+$0xFFFFEC10] =	vst v19  }
0x9a: {  	v23 =	vadd.s32 $0xE, v4;
	v12 =	vld.idx.msk [tilespmem:v12+s7+$0x0], $0xffff;
	[tilespmem:s13+$0x1210] =	vst v8  }
0x9b: {  	v27 =	vadd.s32 $0x11, v7;
	v45 =	vadd.s32 $0x12, v7;
	v19 =	vld.idx.msk [tilespmem:v21+s7+$0x0], $0xffff;
	v21 =	vadd.s32 $0x8, v5;
	[tilespmem:s16+$0xFFFFEC00] =	vst v15  }
0x9c: {  	v38 =	vadd.s32 $0xF, v4;
	v28 =	vadd.s32 $0xC, v10;
	v43 =	vadd.s32 $0xD, v10;
	v30 =	vld.idx.msk [tilespmem:v11+s7+$0x0], $0xffff;
	[tilespmem:s15+$0xFFFFF800] =	vst v22  }
0x9d: {  	v46 =	vadd.s32 $0x9, v5;
	v36 =	vadd.s32 $0x8, v16;
	v32 =	vld.idx.msk [tilespmem:v17+s7+$0x0], $0xffff;
	v17 =	vadd.s32 $0x2, v6;
	[tilespmem:s14+$0x610] =	vst v14  }
0x9e: {  	v29 =	vadd.s32 $0x9, v16;
	v26 =	vadd.s32 $0xA, v16;
	v25 =	vadd.s32 $0xB, v16;
	v34 =	vld.idx.msk [tilespmem:v24+s7+$0x0], $0xffff;
	[tilespmem:s15+$0xFFFFFA10] =	vst v20  }
0x9f: {  	v49 =	vadd.s32 $0x3, v6;
	v33 =	vadd.s32 $0x2, v31;
	v41 =	vadd.s32 $0x3, v31;
	v22 =	vld.idx.msk [tilespmem:v23+s7+$0x0], $0xffff;
	[tilespmem:s14+$0x200] =	vst v12  }
0xa0: {  	v39 =	vadd.s32 $0x4, v31;
	v37 =	vadd.s32 $0x5, v31;
	v35 =	vadd.s32 $0x6, v31;
	v20 =	vld.idx.msk [tilespmem:v21+s7+$0x0], $0xffff;
	[tilespmem:s16+$0xFFFFEE10] =	vst v19  }
0xa1: {  	v40 =	vadd.s32 $0x9, v31;
	v18 =	vadd.s32 $0xE, v10;
	v9 =	vadd.s32 $0x13, v7;
	v28 =	vld.idx.msk [tilespmem:v28+s7+$0x0], $0xffff;
	[tilespmem:s13+$0xC00] =	vst v30  }
0xa2: {  	v13 =	vadd.s32 $0x10, v10;
	v7 =	vadd.s32 $0x13, v10;
	v15 =	vadd.s32 $0xF, v10;
	v44 =	vld.idx.msk [tilespmem:v17+s7+$0x0], $0xffff;
	[tilespmem:s16+$0xFFFFEE00] =	vst v32  }
0xa3: {  	v8 =	vadd.s32 $0x12, v10;
	v11 =	vadd.s32 $0x11, v10;
	v10 =	vadd.s32 $0x13, v16;
	v48 =	vld.idx.msk [tilespmem:v27+s7+$0x0], $0xffff;
	[tilespmem:s15+$0xFFFFFA00] =	vst v34  }
0xa4: {  	v24 =	vadd.s32 $0xC, v16;
	v14 =	vadd.s32 $0x11, v16;
	v23 =	vadd.s32 $0xD, v16;
	v50 =	vld.idx.msk [tilespmem:v33+s7+$0x0], $0xffff;
	[tilespmem:s14+$0x810] =	vst v22  }
0xa5: {  	v12 =	vadd.s32 $0x12, v16;
	v21 =	vadd.s32 $0xE, v16;
	v19 =	vadd.s32 $0xF, v16;
	v47 =	vld.idx.msk [tilespmem:v36+s7+$0x0], $0xffff;
	[tilespmem:s15+$0xFFFFFC10] =	vst v20  }
0xa6: {  	v17 =	vadd.s32 $0x10, v16;
	v32 =	vadd.s32 $0xB, v31;
	v30 =	vadd.s32 $0xC, v31;
	v42 =	vld.idx.msk [tilespmem:v38+s7+$0x0], $0xffff;
	[tilespmem:s14+$0x400] =	vst v28  }
0xa7: {  	v16 =	vadd.s32 $0x12, v31;
	v34 =	vadd.s32 $0x7, v31;
	[tilespmem:s16+$0xFFFFF010] =	vst v44;
	v44 =	vld.idx.msk [tilespmem:v43+s7+$0x0], $0xffff;
	v43 =	vadd.s32 $0x10, v4  }
0xa8: {  	v33 =	vadd.s32 $0x8, v31;
	v27 =	vadd.s32 $0xD, v31;
	v36 =	vadd.s32 $0xA, v31;
	v46 =	vld.idx.msk [tilespmem:v46+s7+$0x0], $0xffff  }
0xa9: {  	v22 =	vadd.s32 $0x10, v31;
	v38 =	vadd.s32 $0xE, v31;
	v49 =	vld.idx.msk [tilespmem:v49+s7+$0x0], $0xffff;
	[tilespmem:s13+$0xE00] =	vst v48;
	v48 =	vadd.s32 $0xA, v5  }
0xaa: {  	s17 =	simm.s32 $0x6;
	s18 =	simm.s32 $0x90;
	v28 =	vadd.s32 $0xF, v31;
	v20 =	vadd.s32 $0x11, v31;
	v31 =	vadd.s32 $0x13, v31;
	[tilespmem:s16+$0xFFFFF000] =	vst v50;
	v45 =	vld.idx.msk [tilespmem:v45+s7+$0x0], $0xffff  }
.LBB2_2:
0xab: {  	v50 =	vld [tilespmem:s18+$0x0];
	v51 =	vadd.s32 $0x4, v6;
	[tilespmem:s14+$0xA10] =	vst v42  }
0xac: {  	s17 =	sadd.s32 $0x2, s17;
	[tilespmem:s15+$0xFFFFFC00] =	vst v47;
	v42 =	vld.idx.msk [tilespmem:v43+s7+$0x0], $0xffff  }
0xad: {  	p0 =	slt.u32 s17, $0x1E;
	v43 =	vld [tilespmem:s18+$0xFFFFFFF0];
	[tilespmem:s15+$0xFFFFFE10] =	vst v46  }
0xae: {  	v46 =	vld.idx.msk [tilespmem:v48+s7+$0x0], $0xffff;
	[tilespmem:s14+$0x600] =	vst v44;
	v44 =	vadd.s32 $0x11, v4  }
0xaf: {  	v41 =	vld.idx.msk [tilespmem:v41+s7+$0x0], $0xffff;
	[tilespmem:s16+$0xFFFFF210] =	vst v49  }
0xb0: {  	v48 =	vadd.s32 $0xB, v5;
	v47 =	vld.idx.msk [tilespmem:v51+s7+$0x0], $0xffff;
	[tilespmem:s13+$0x1000] =	vst v45  }
0xb1: {  	vm0 =	vgt.s32 v50, $0x0;
	v45 =	vld.idx.msk [tilespmem:v29+s7+$0x0], $0xffff;
	v29 =	vmov v40  }
0xb2: {  	v49 =	vadd.s32 $0x5, v6;
	v40 =	vnsel vm0, $0x0, v50;
	vm1 =	vgt.s32 v43, $0x0;
	v50 =	vld.idx.msk [tilespmem:v18+s7+$0x0], $0xffff;
	[tilespmem:s14+$0xC10] =	vst v42;
	v18 =	vmovc v21;
	v21 =	vmovc v38  }
0xb3: {  	v40 =	vmin.u32 v40, $0x7F;
	v38 =	vnsel vm1, $0x0, v43;
	v42 =	vld.idx.msk [tilespmem:v44+s7+$0x0], $0xffff  }
0xb4: {  	v38 =	vmin.u32 v38, $0x7F;
	[tilespmem:s15+$0x10] =	vst v46;
	v43 =	vld.idx.msk [tilespmem:v9+s7+$0x0], $0xffff;
	v9 =	vmovc v7;
	v7 =	vmov v10;
	v10 =	vmov v31  }
0xb5: {  	[tilespmem:s16+$0xFFFFF200] =	vst v41;
	v31 =	vld.idx.msk [tilespmem:v48+s7+$0x0], $0xffff;
	v41 =	vadd.s32 $0x12, v4  }
0xb6: {  	v39 =	vld.idx.msk [tilespmem:v39+s7+$0x0], $0xffff;
	[tilespmem:s16+$0xFFFFF410] =	vst v47  }
0xb7: {  	v44 =	vld.idx.msk [tilespmem:v49+s7+$0x0], $0xffff;
	[tilespmem:s15+$0xFFFFFE00] =	vst v45;
	v45 =	vadd.s32 $0xC, v5  }
0xb8: {  	v40 =	vld.idx.msk [tilespmem:v40+s9+$0x0], $0xffff;
	[tilespmem:s14+$0x800] =	vst v50  }
0xb9: {  	v46 =	vld.idx.msk [tilespmem:v38+s9+$0x0], $0xffff;
	v38 =	vadd.s32 $0x6, v6;
	[tilespmem:s14+$0xE10] =	vst v42  }
0xba: {  	v42 =	vld.idx.msk [tilespmem:v41+s7+$0x0], $0xffff;
	[tilespmem:s13+$0x1200] =	vst v43;
	s13 =	smov.u32 s14;
	s14 =	smov.u32 s15;
	s15 =	smov.u32 s16  }
0xbb: {  	v43 =	vld.idx.msk [tilespmem:v26+s7+$0x0], $0xffff;
	[tilespmem:s14+$0x210] =	vst v31;
	v26 =	vmov v36  }
0xbc: {  	v36 =	vadd.s32 $0x13, v4;
	v4 =	vmov v5;
	v5 =	vmov v6;
	[tilespmem:s16+$0xFFFFF400] =	vst v39;
	v31 =	vld.idx.msk [tilespmem:v45+s7+$0x0], $0xffff  }
0xbd: {  	v45 =	vld.idx.msk [tilespmem:v37+s7+$0x0], $0xffff;
	[tilespmem:s16+$0xFFFFF610] =	vst v44  }
0xbe: {  	v6 =	vmov v40;
	v44 =	vld.idx.msk [tilespmem:v38+s7+$0x0], $0xffff;
	v38 =	vadd.s32 $0xD, v4  }
0xbf: {  	v47 =	vadd.s32 $0x1, v46;
	v48 =	vadd.s32 $0x2, v46;
	v41 =	vadd.s32 $0x3, v46;
	v49 =	vld.idx.msk [tilespmem:v15+s7+$0x0], $0xffff;
	v15 =	vmovc v19;
	v19 =	vmovc v28  }
0xc0: {  	v51 =	vadd.s32 $0x7, v5;
	v39 =	vadd.s32 $0x4, v46;
	v37 =	vadd.s32 $0x5, v46;
	v50 =	vld.idx.msk [tilespmem:v40+s7+$0x0], $0xffff;
	[tilespmem:s13+$0x1010] =	vst v42  }
0xc1: {  	v52 =	vadd.s32 $0x7, v46;
	v53 =	vadd.s32 $0x8, v46;
	v42 =	vadd.s32 $0x6, v46;
	[tilespmem:s14+$0x0] =	vst v43;
	v43 =	vld.idx.msk [tilespmem:v36+s7+$0x0], $0xffff  }
0xc2: {  	v55 =	vadd.s32 $0x1, v6;
	v40 =	vadd.s32 $0x9, v46;
	v36 =	vadd.s32 $0xA, v46;
	v54 =	vld.idx.msk [tilespmem:v46+s7+$0x0], $0xffff;
	[tilespmem:s14+$0x410] =	vst v31  }
0xc3: {  	v56 =	vadd.s32 $0xB, v46;
	v57 =	vadd.s32 $0xC, v46;
	v58 =	vadd.s32 $0xD, v46;
	[tilespmem:s16+$0xFFFFF600] =	vst v45;
	v45 =	vld.idx.msk [tilespmem:v38+s7+$0x0], $0xffff  }
0xc4: {  	v59 =	vadd.s32 $0x10, v46;
	v28 =	vadd.s32 $0xF, v46;
	v38 =	vadd.s32 $0xE, v46;
	v60 =	vld.idx.msk [tilespmem:v35+s7+$0x0], $0xffff;
	[tilespmem:s16+$0xFFFFF810] =	vst v44;
	v35 =	vmovc v42  }
0xc5: {  	v61 =	vadd.s32 $0x12, v46;
	v42 =	vadd.s32 $0x11, v46;
	s16 =	sadd.s32 $0x20, s16;
	v44 =	vld.idx.msk [tilespmem:v51+s7+$0x0], $0xffff;
	v51 =	vadd.s32 $0xE, v4;
	[tilespmem:s13+$0xA00] =	vst v49  }
0xc6: {  	v31 =	vadd.s32 $0x13, v46;
	[tilespmem:s16+$0xFFFFEC10] =	vst v50;
	v46 =	vld.idx.msk [tilespmem:v25+s7+$0x0], $0xffff;
	v25 =	vmov v32;
	v32 =	vmov v56  }
0xc7: {  	v50 =	vadd.s32 $0x8, v5;
	v49 =	vld.idx.msk [tilespmem:v55+s7+$0x0], $0xffff;
	[tilespmem:s13+$0x1210] =	vst v43  }
0xc8: {  	[tilespmem:s16+$0xFFFFEC00] =	vst v54;
	v43 =	vld.idx.msk [tilespmem:v13+s7+$0x0], $0xffff;
	v13 =	vmov v17;
	v17 =	vmov v22;
	v22 =	vmov v59  }
0xc9: {  	v54 =	vadd.s32 $0x2, v6;
	v47 =	vld.idx.msk [tilespmem:v47+s7+$0x0], $0xffff;
	[tilespmem:s14+$0x610] =	vst v45  }
0xca: {  	[tilespmem:s15+$0xFFFFF800] =	vst v60;
	v45 =	vld.idx.msk [tilespmem:v51+s7+$0x0], $0xffff  }
0xcb: {  	v51 =	vld.idx.msk [tilespmem:v34+s7+$0x0], $0xffff;
	[tilespmem:s15+$0xFFFFFA10] =	vst v44;
	v34 =	vmov v52  }
0xcc: {  	v44 =	vld.idx.msk [tilespmem:v50+s7+$0x0], $0xffff;
	[tilespmem:s14+$0x200] =	vst v46;
	v46 =	vadd.s32 $0xF, v4  }
0xcd: {  	[tilespmem:s16+$0xFFFFEE10] =	vst v49;
	v49 =	vld.idx.msk [tilespmem:v24+s7+$0x0], $0xffff;
	v24 =	vmov v30;
	v30 =	vmov v57  }
0xce: {  	v52 =	vadd.s32 $0x9, v5;
	v50 =	vld.idx.msk [tilespmem:v54+s7+$0x0], $0xffff;
	[tilespmem:s13+$0xC00] =	vst v43  }
0xcf: {  	[tilespmem:s16+$0xFFFFEE00] =	vst v47;
	v54 =	vld.idx.msk [tilespmem:v11+s7+$0x0], $0xffff;
	v11 =	vmov v14;
	v14 =	vmov v20;
	v20 =	vmov v42  }
0xd0: {  	v55 =	vld.idx.msk [tilespmem:v48+s7+$0x0], $0xffff;
	v48 =	vadd.s32 $0x3, v6;
	[tilespmem:s14+$0x810] =	vst v45  }
0xd1: {  	[tilespmem:s15+$0xFFFFFA00] =	vst v51;
	v42 =	vld.idx.msk [tilespmem:v46+s7+$0x0], $0xffff  }
.Ltmp0:
0xd2: {  	v47 =	vld.idx.msk [tilespmem:v33+s7+$0x0], $0xffff;
	[tilespmem:s15+$0xFFFFFC10] =	vst v44;
	v33 =	vmov v53;
	(pc) =	sbr.rel @p0 .LBB2_2-.Ltmp0, $4  }
0xd3: {  	v43 =	vadd.s32 $0x10, v4;
	v46 =	vld.idx.msk [tilespmem:v52+s7+$0x0], $0xffff;
	[tilespmem:s14+$0x400] =	vst v49  }
0xd4: {  	[tilespmem:s16+$0xFFFFF010] =	vst v50;
	v44 =	vld.idx.msk [tilespmem:v23+s7+$0x0], $0xffff;
	v23 =	vmov v27;
	v27 =	vmov v58  }
0xd5: {  	v49 =	vld.idx.msk [tilespmem:v48+s7+$0x0], $0xffff;
	v48 =	vadd.s32 $0xA, v5;
	[tilespmem:s13+$0xE00] =	vst v54  }
0xd6: {  	s18 =	sadd.s32 $0x20, s18;
	[tilespmem:s16+$0xFFFFF000] =	vst v55;
	v45 =	vld.idx.msk [tilespmem:v8+s7+$0x0], $0xffff;
	v8 =	vmov v12;
	v12 =	vmov v16;
	v16 =	vmov v61  }
0xd7: {  	_ =	sdelay $0x3  }
0xd8: {  	v50 =	vadd.s32 $0x4, v6;
	v41 =	vld.idx.msk [tilespmem:v41+s7+$0x0], $0xffff;
	_ =	sdelay $0x3  }
0xd9: {  	[tilespmem:s16+$0xFFFFF210] =	vst v49  }
0xda: {  	v49 =	vld.idx.msk [tilespmem:v50+s7+$0x0], $0xffff;
	[tilespmem:s16+$0xFFFFF200] =	vst v41  }
0xdb: {  	v51 =	vadd.s32 $0x5, v6;
	v39 =	vld.idx.msk [tilespmem:v39+s7+$0x0], $0xffff;
	_ =	sdelay $0x3  }
0xdc: {  	[tilespmem:s16+$0xFFFFF410] =	vst v49  }
0xdd: {  	v41 =	vld.idx.msk [tilespmem:v51+s7+$0x0], $0xffff;
	[tilespmem:s16+$0xFFFFF400] =	vst v39  }
0xde: {  	v52 =	vadd.s32 $0x6, v6;
	v37 =	vld.idx.msk [tilespmem:v37+s7+$0x0], $0xffff;
	_ =	sdelay $0x3  }
0xdf: {  	[tilespmem:s16+$0xFFFFF610] =	vst v41  }
0xe0: {  	v39 =	vld.idx.msk [tilespmem:v52+s7+$0x0], $0xffff;
	[tilespmem:s16+$0xFFFFF600] =	vst v37  }
0xe1: {  	v53 =	vadd.s32 $0x7, v6;
	v35 =	vld.idx.msk [tilespmem:v35+s7+$0x0], $0xffff;
	_ =	sdelay $0x3  }
0xe2: {  	[tilespmem:s16+$0xFFFFF810] =	vst v39  }
0xe3: {  	v37 =	vld.idx.msk [tilespmem:v53+s7+$0x0], $0xffff;
	[tilespmem:s16+$0xFFFFF800] =	vst v35  }
0xe4: {  	v54 =	vadd.s32 $0x8, v6;
	v34 =	vld.idx.msk [tilespmem:v34+s7+$0x0], $0xffff;
	_ =	sdelay $0x3  }
0xe5: {  	[tilespmem:s16+$0xFFFFFA10] =	vst v37  }
0xe6: {  	v35 =	vld.idx.msk [tilespmem:v54+s7+$0x0], $0xffff;
	[tilespmem:s16+$0xFFFFFA00] =	vst v34  }
0xe7: {  	v55 =	vadd.s32 $0x9, v6;
	v33 =	vld.idx.msk [tilespmem:v33+s7+$0x0], $0xffff;
	_ =	sdelay $0x2  }
0xe8: {  	[tilespmem:s15+$0xFFFFFC00] =	vst v47  }
0xe9: {  	v29 =	vld.idx.msk [tilespmem:v29+s7+$0x0], $0xffff;
	[tilespmem:s16+$0xFFFFFC10] =	vst v35  }
0xea: {  	v34 =	vld.idx.msk [tilespmem:v55+s7+$0x0], $0xffff;
	[tilespmem:s16+$0xFFFFFC00] =	vst v33  }
0xeb: {  	v56 =	vadd.s32 $0xA, v6;
	v57 =	vld.idx.msk [tilespmem:v40+s7+$0x0], $0xffff;
	_ =	sdelay $0x1  }
0xec: {  	[tilespmem:s15+$0xFFFFFE10] =	vst v46  }
0xed: {  	v58 =	vld.idx.msk [tilespmem:v48+s7+$0x0], $0xffff;
	[tilespmem:s15+$0xFFFFFE00] =	vst v29  }
0xee: {  	v59 =	vadd.s32 $0xB, v5;
	v26 =	vld.idx.msk [tilespmem:v26+s7+$0x0], $0xffff;
	[tilespmem:s16+$0xFFFFFE10] =	vst v34  }
0xef: {  	v33 =	vld.idx.msk [tilespmem:v56+s7+$0x0], $0xffff;
	[tilespmem:s16+$0xFFFFFE00] =	vst v57  }
0xf0: {  	v60 =	vadd.s32 $0xB, v6;
	v35 =	vld.idx.msk [tilespmem:v36+s7+$0x0], $0xffff;
	_ =	sdelay $0x1  }
0xf1: {  	[tilespmem:s15+$0x10] =	vst v58  }
0xf2: {  	v29 =	vld.idx.msk [tilespmem:v59+s7+$0x0], $0xffff;
	[tilespmem:s15+$0x0] =	vst v26  }
0xf3: {  	v61 =	vadd.s32 $0xC, v5;
	v25 =	vld.idx.msk [tilespmem:v25+s7+$0x0], $0xffff;
	[tilespmem:s16+$0x10] =	vst v33  }
0xf4: {  	v33 =	vld.idx.msk [tilespmem:v60+s7+$0x0], $0xffff;
	[tilespmem:s16+$0x0] =	vst v35  }
0xf5: {  	v62 =	vadd.s32 $0xC, v6;
	v32 =	vld.idx.msk [tilespmem:v32+s7+$0x0], $0xffff;
	_ =	sdelay $0x1  }
0xf6: {  	[tilespmem:s15+$0x210] =	vst v29  }
0xf7: {  	v26 =	vld.idx.msk [tilespmem:v61+s7+$0x0], $0xffff;
	[tilespmem:s15+$0x200] =	vst v25  }
0xf8: {  	v63 =	vadd.s32 $0xD, v5;
	v24 =	vld.idx.msk [tilespmem:v24+s7+$0x0], $0xffff;
	[tilespmem:s16+$0x210] =	vst v33  }
0xf9: {  	v36 =	vld.idx.msk [tilespmem:v62+s7+$0x0], $0xffff;
	[tilespmem:s16+$0x200] =	vst v32  }
0xfa: {  	v37 =	vadd.s32 $0xD, v6;
	v30 =	vld.idx.msk [tilespmem:v30+s7+$0x0], $0xffff;
	_ =	sdelay $0x1  }
0xfb: {  	[tilespmem:s15+$0x410] =	vst v26  }
0xfc: {  	v25 =	vld.idx.msk [tilespmem:v63+s7+$0x0], $0xffff;
	[tilespmem:s15+$0x400] =	vst v24  }
0xfd: {  	v39 =	vadd.s32 $0xE, v5;
	v23 =	vld.idx.msk [tilespmem:v23+s7+$0x0], $0xffff;
	[tilespmem:s16+$0x410] =	vst v36  }
0xfe: {  	v40 =	vld.idx.msk [tilespmem:v37+s7+$0x0], $0xffff;
	[tilespmem:s16+$0x400] =	vst v30  }
0xff: {  	[tilespmem:s14+$0xA10] =	vst v42;
	v41 =	vadd.s32 $0xE, v6;
	v27 =	vld.idx.msk [tilespmem:v27+s7+$0x0], $0xffff  }
0x100: {  	[tilespmem:s14+$0x600] =	vst v44  }
0x101: {  	v18 =	vld.idx.msk [tilespmem:v18+s7+$0x0], $0xffff;
	[tilespmem:s15+$0x610] =	vst v25  }
0x102: {  	v24 =	vld.idx.msk [tilespmem:v39+s7+$0x0], $0xffff;
	[tilespmem:s15+$0x600] =	vst v23  }
0x103: {  	v42 =	vadd.s32 $0xF, v5;
	v21 =	vld.idx.msk [tilespmem:v21+s7+$0x0], $0xffff;
	[tilespmem:s16+$0x610] =	vst v40  }
0x104: {  	v44 =	vld.idx.msk [tilespmem:v41+s7+$0x0], $0xffff;
	[tilespmem:s16+$0x600] =	vst v27  }
0x105: {  	[tilespmem:s13+$0x1000] =	vst v45;
	v45 =	vadd.s32 $0xF, v6;
	v27 =	vld.idx.msk [tilespmem:v38+s7+$0x0], $0xffff  }
0x106: {  	v46 =	vld.idx.msk [tilespmem:v43+s7+$0x0], $0xffff;
	[tilespmem:s14+$0x800] =	vst v18  }
0x107: {  	v47 =	vadd.s32 $0x11, v4;
	v15 =	vld.idx.msk [tilespmem:v15+s7+$0x0], $0xffff;
	[tilespmem:s15+$0x810] =	vst v24  }
0x108: {  	v23 =	vld.idx.msk [tilespmem:v42+s7+$0x0], $0xffff;
	[tilespmem:s15+$0x800] =	vst v21  }
0x109: {  	v48 =	vadd.s32 $0x10, v5;
	v19 =	vld.idx.msk [tilespmem:v19+s7+$0x0], $0xffff;
	[tilespmem:s16+$0x810] =	vst v44  }
0x10a: {  	v49 =	vld.idx.msk [tilespmem:v45+s7+$0x0], $0xffff;
	[tilespmem:s16+$0x800] =	vst v27  }
0x10b: {  	v50 =	vadd.s32 $0x10, v6;
	[tilespmem:s14+$0xC10] =	vst v46;
	v51 =	vld.idx.msk [tilespmem:v28+s7+$0x0], $0xffff  }
0x10c: {  	v18 =	vld.idx.msk [tilespmem:v47+s7+$0x0], $0xffff;
	[tilespmem:s14+$0xA00] =	vst v15  }
0x10d: {  	v13 =	vld.idx.msk [tilespmem:v13+s7+$0x0], $0xffff;
	[tilespmem:s15+$0xA10] =	vst v23  }
0x10e: {  	v52 =	vld.idx.msk [tilespmem:v48+s7+$0x0], $0xffff;
	[tilespmem:s15+$0xA00] =	vst v19  }
0x10f: {  	v53 =	vadd.s32 $0x11, v5;
	v17 =	vld.idx.msk [tilespmem:v17+s7+$0x0], $0xffff;
	[tilespmem:s16+$0xA10] =	vst v49  }
0x110: {  	v54 =	vld.idx.msk [tilespmem:v50+s7+$0x0], $0xffff;
	[tilespmem:s16+$0xA00] =	vst v51  }
0x111: {  	[tilespmem:s14+$0xE10] =	vst v18;
	v55 =	vadd.s32 $0x11, v6;
	v22 =	vld.idx.msk [tilespmem:v22+s7+$0x0], $0xffff  }
0x112: {  	v9 =	vld.idx.msk [tilespmem:v9+s7+$0x0], $0xffff;
	[tilespmem:s14+$0xC00] =	vst v13  }
0x113: {  	v11 =	vld.idx.msk [tilespmem:v11+s7+$0x0], $0xffff;
	v56 =	vadd.s32 $0x12, v4;
	[tilespmem:s15+$0xC10] =	vst v52  }
0x114: {  	v15 =	vld.idx.msk [tilespmem:v53+s7+$0x0], $0xffff;
	[tilespmem:s15+$0xC00] =	vst v17  }
0x115: {  	v57 =	vadd.s32 $0x12, v5;
	v14 =	vld.idx.msk [tilespmem:v14+s7+$0x0], $0xffff;
	[tilespmem:s16+$0xC10] =	vst v54  }
0x116: {  	v18 =	vld.idx.msk [tilespmem:v55+s7+$0x0], $0xffff;
	[tilespmem:s16+$0xC00] =	vst v22  }
0x117: {  	v58 =	vadd.s32 $0x12, v6;
	[tilespmem:s13+$0x1200] =	vst v9;
	v59 =	vld.idx.msk [tilespmem:v20+s7+$0x0], $0xffff  }
0x118: {  	[tilespmem:s14+$0xE00] =	vst v11;
	v13 =	vld.idx.msk [tilespmem:v56+s7+$0x0], $0xffff  }
0x119: {  	v8 =	vld.idx.msk [tilespmem:v8+s7+$0x0], $0xffff;
	v4 =	vadd.s32 $0x13, v4;
	[tilespmem:s15+$0xE10] =	vst v15  }
0x11a: {  	v60 =	vld.idx.msk [tilespmem:v57+s7+$0x0], $0xffff;
	[tilespmem:s15+$0xE00] =	vst v14  }
0x11b: {  	v5 =	vadd.s32 $0x13, v5;
	v12 =	vld.idx.msk [tilespmem:v12+s7+$0x0], $0xffff;
	[tilespmem:s16+$0xE10] =	vst v18  }
0x11c: {  	v9 =	vld.idx.msk [tilespmem:v58+s7+$0x0], $0xffff;
	[tilespmem:s16+$0xE00] =	vst v59  }
0x11d: {  	v61 =	vadd.s32 $0x13, v6;
	[tilespmem:s14+$0x1010] =	vst v13;
	v62 =	vld.idx.msk [tilespmem:v16+s7+$0x0], $0xffff  }
0x11e: {  	[tilespmem:s14+$0x1000] =	vst v8;
	v4 =	vld.idx.msk [tilespmem:v4+s7+$0x0], $0xffff  }
0x11f: {  	v7 =	vld.idx.msk [tilespmem:v7+s7+$0x0], $0xffff;
	[tilespmem:s15+$0x1010] =	vst v60  }
0x120: {  	v5 =	vld.idx.msk [tilespmem:v5+s7+$0x0], $0xffff;
	[tilespmem:s15+$0x1000] =	vst v12  }
0x121: {  	v63 =	vld.idx.msk [tilespmem:v10+s7+$0x0], $0xffff;
	[tilespmem:s16+$0x1010] =	vst v9  }
0x122: {  	v6 =	vld.idx.msk [tilespmem:v61+s7+$0x0], $0xffff;
	[tilespmem:s16+$0x1000] =	vst v62  }
0x123: {  	[tilespmem:s14+$0x1210] =	vst v4;
	v4 =	vld.idx.msk [tilespmem:v31+s7+$0x0], $0xffff  }
0x124: {  	[tilespmem:s14+$0x1200] =	vst v7  }
0x125: {  	[tilespmem:s15+$0x1210] =	vst v5  }
0x126: {  	s12 =	sadd.s32 $0x1, s12;
	[tilespmem:s15+$0x1200] =	vst v63  }
0x127: {  	p0 =	sne.s32 s12, s6;
	[tilespmem:s16+$0x1210] =	vst v6  }
.Ltmp1:
0x128: {  	[tilespmem:s16+$0x1200] =	vst v4;
	(pc) =	sbr.rel @p0 .LBB2_1-.Ltmp1, $4  }
0x129: {  	[hbm4b:s5+s9] =	stream.strided.scatter [tilespmem:s11], [sflag:$0x1], $0x2800, s10, s9, $0x38;
	[tilespmem:$0x2B40] =	vst v63  }
0x12a: {  	_ =	swait.ge [sflag:s8], $0x2800  }
0x12b: {  	[sflag:s8] =	ssyncset.done $0x0  }
0x12c: {  	[sflag:s8] =	ssyncadd.s32 $0xFFFFD800  }
0x12d: {  	_ =	sfence.sel $0x180000  }
0x12e: {  	[bflag:$0x0] =	sbarrier.arrive $0xFFFF  }
0x12f: {  	p0 =	sne.s32 s2, $0x0;
	_ =	strace $0x90000047  }
0x130: {  	s0 =	sadd.s32 @!p0 $0x100000, s0;
	[bflag:$0x2] =	sbarrier.arrive $0xFFFF  }
0x131: {  	[sflag:s0] =	ssyncadd.tile.s32 @!p0 $0x1;
	_ =	shalt  }
.Lfunc_end2:
_tile_overlayer_lowered:
.L_overlay_start_2:
0x132: {  	(tag) =	ssettag $0x2  }
0x133: {  	s0 =	rddreg [dreg:$0x0];
	s2 =	stileid.u32  }
0x134: {  	s1 =	rddreg [dreg:$0x1];
	p0 =	sne.s32 s2, $0x0  }
0x135: {  	s3 =	rddreg [dreg:$0x2];
	[bflag:$0x3] =	sbarrier.arrive $0xFFFF;
	s2 =	simm.s32 @!p0 $0x1C02  }
0x136: {  	[timem:s3], [sflag:s2] =	dma.local @!p0 [hbm:s0], s1  }
0x137: {  	s0 =	simm.s32 @!p0 $0x2  }
0x138: {  	_ =	swait.ge @!p0 [sflag:s0], s1  }
0x139: {  	s1 =	ssub.s32 @!p0 $0x0, s1;
	[sflag:s0] =	ssyncset.done @!p0 $0x0  }
0x13a: {  	[sflag:s0] =	ssyncadd.s32 @!p0 s1  }
0x13b: {  	[bflag:$0x3] =	sbarrier.arrive $0xFFFF  }
0x13c: {  	_ =	shalt  }

</sc_bundles>
